<compile_context>
chip_gen: v7x
topology: tpu7x:2x2x1
jax: 0.10.2.dev20260603
libtpu: 0.0.44.dev20260713+nightly
codegen_flags: <defaults>
</compile_context>

<pallas_src>
import functools

import jax
import jax.numpy as jnp
from jax import lax
from jax.experimental import pallas as pl
from jax.experimental.pallas import tpu as pltpu
from jax.experimental.pallas import tpu_sc as plsc

VOCAB = 1000000
MAX_COUNT = 100
EMB = 32
B = 16384
L = 50
N = B * L

NUM_CORES = 2
NUM_SUBCORES = 16
NW = NUM_CORES * NUM_SUBCORES
ROWS_PER_W = N // NW
IDXV = 512
CHUNK = 512
JROWS = CHUNK // IDXV
N_CHUNKS = ROWS_PER_W // CHUNK
N_PAIRS = N_CHUNKS // 2
IDX_ROWS_PER_W = ROWS_PER_W // IDXV
HALF = 16


def _make_kernel():
    mesh = plsc.VectorSubcoreMesh(core_axis_name="c", subcore_axis_name="s")

    @functools.partial(
        pl.kernel,
        mesh=mesh,
        out_type=jax.ShapeDtypeStruct((N, EMB), jnp.float32),
        compiler_params=pltpu.CompilerParams(
            use_tc_tiling_on_sc=False, needs_layout_passes=False),
        scratch_types=[
            pltpu.VMEM((IDX_ROWS_PER_W, IDXV), jnp.int32),
            pltpu.VMEM((IDX_ROWS_PER_W, IDXV), jnp.int32),
            pltpu.VMEM((MAX_COUNT, EMB), jnp.float32),
            pltpu.VMEM((CHUNK, EMB), jnp.float32),
            pltpu.VMEM((CHUNK, EMB), jnp.float32),
            pltpu.SemaphoreType.DMA,
            pltpu.SemaphoreType.DMA,
            pltpu.SemaphoreType.DMA,
            pltpu.SemaphoreType.DMA,
        ],
    )
    def emb_kernel(didx_hbm, cidx_hbm, dtab_hbm, ctab_hbm, out_hbm,
                   didx_v, cidx_v, ctab_v, dr_a, dr_b,
                   gsem_a, gsem_b, osem_a, osem_b):
        cid = lax.axis_index("c")
        sid = lax.axis_index("s")
        wid = sid * NUM_CORES + cid
        idx_row0 = wid * IDX_ROWS_PER_W
        out_row0 = wid * ROWS_PER_W

        pltpu.sync_copy(didx_hbm.at[pl.ds(idx_row0, IDX_ROWS_PER_W)], didx_v)
        pltpu.sync_copy(cidx_hbm.at[pl.ds(idx_row0, IDX_ROWS_PER_W)], cidx_v)
        pltpu.sync_copy(ctab_hbm, ctab_v)

        def fire_gathers(t, drows, gsem):
            copies = []
            for j in range(JROWS):
                row = t * JROWS + j
                copies.append(pltpu.async_copy(
                    dtab_hbm.at[didx_v.at[row]],
                    drows.at[pl.ds(j * IDXV, IDXV)], gsem))
            return copies

        def alu_add(t, drows):
            for j in range(JROWS):
                idx_row = t * JROWS + j

                def body(g, carry, j=j, idx_row=idx_row):
                    c16 = cidx_v[idx_row, pl.ds(g * HALF, HALF)]
                    for k in range(HALF):
                        c = c16[k]
                        r = j * IDXV + g * HALF + k
                        plsc.addupdate(
                            drows.at[r, pl.ds(0, HALF)],
                            ctab_v[c, pl.ds(0, HALF)])
                        plsc.addupdate(
                            drows.at[r, pl.ds(HALF, HALF)],
                            ctab_v[c, pl.ds(HALF, HALF)])
                    return carry

                lax.fori_loop(0, IDXV // HALF, body, 0)

        def store(t, drows, osem):
            return pltpu.async_copy(
                drows, out_hbm.at[pl.ds(out_row0 + t * CHUNK, CHUNK)], osem)

        def pair_body(i, carry):
            t0 = 2 * i
            t1 = t0 + 1
            g_a = fire_gathers(t0, dr_a, gsem_a)
            g_b = fire_gathers(t1, dr_b, gsem_b)
            for c in g_a:
                c.wait()
            alu_add(t0, dr_a)
            o_a = store(t0, dr_a, osem_a)
            for c in g_b:
                c.wait()
            alu_add(t1, dr_b)
            o_b = store(t1, dr_b, osem_b)
            o_a.wait()
            o_b.wait()
            return carry

        lax.fori_loop(0, N_PAIRS, pair_body, 0)

    return emb_kernel


_emb_kernel = _make_kernel()


def kernel(diseases, counts, disease_table, counts_table):
    didx = diseases.astype(jnp.int32).reshape(N // IDXV, IDXV)
    cidx = counts.astype(jnp.int32).reshape(N // IDXV, IDXV)
    out = _emb_kernel(didx, cidx, disease_table, counts_table)
    return out.reshape(B, L, EMB)

# --- scband reference (transcript-rebuilt; emitter-appended) ---
"""Pipeline reference for scband-embedding-pheno-17291538334465 (READ-ONLY COPY).

The authoritative reference and input builder live on the scoring server;
editing this copy changes nothing except your own understanding.
"""

import jax, jax.numpy as jnp
import numpy as np

VOCAB = 1000000
MAX_COUNT = 100
EMB = 32
B = 16384
L = 50

def setup_inputs(seed: int = 0) -> dict:
    key = jax.random.key(seed)
    k1, k2, k3, k4 = jax.random.split(key, 4)
    diseases = jax.random.randint(k1, (B, L), 0, VOCAB, dtype=jnp.int64 if jax.config.jax_enable_x64 else jnp.int32)
    counts = jax.random.randint(k2, (B, L), 0, MAX_COUNT, dtype=jnp.int64 if jax.config.jax_enable_x64 else jnp.int32)
    # learned parameters, init normal(0, 0.02) as in the torch module
    disease_table = jax.random.normal(k3, (VOCAB, EMB), dtype=jnp.float32) * 0.02
    counts_table = jax.random.normal(k4, (MAX_COUNT, EMB), dtype=jnp.float32) * 0.02
    return {"diseases": diseases, "counts": counts, "disease_table": disease_table, "counts_table": counts_table}

def reference(diseases, counts, disease_table, counts_table):
    # EmbeddingPheno (method=None) holds two nn.Embedding tables:
    #   distinct_diseases_embeddings[vocab_size, E] and counts_embeddings[max_count, E].
    # Forward usage: embed disease ids and same-disease counts, combined additively.
    dis_emb = jnp.take(disease_table, diseases, axis=0)   # [B, L, E]
    cnt_emb = jnp.take(counts_table, counts, axis=0)      # [B, L, E]
    return dis_emb + cnt_emb

if __name__ == "__main__":
    import jax
    _d = setup_inputs()
    print(jax.jit(kernel)(*tuple(_d.values())))

</pallas_src>

<mosaic_0001>
#map = affine_map<(d0, d1) -> (0, 0)>
module attributes {stable_mosaic.version = 14 : i64} {
  func.func @emb_kernel(%arg0: i32, %arg1: i32, %arg2: memref<1600x512xi32, #tpu.memory_space<hbm>>, %arg3: memref<1600x512xi32, #tpu.memory_space<hbm>>, %arg4: memref<1000000x32xf32, #tpu.memory_space<hbm>>, %arg5: memref<100x32xf32, #tpu.memory_space<hbm>>, %arg6: memref<819200x32xf32, #tpu.memory_space<hbm>>, %arg7: memref<50x512xi32, #tpu.memory_space<vmem>>, %arg8: memref<50x512xi32, #tpu.memory_space<vmem>>, %arg9: memref<100x32xf32, #tpu.memory_space<vmem>>, %arg10: memref<512x32xf32, #tpu.memory_space<vmem>>, %arg11: memref<512x32xf32, #tpu.memory_space<vmem>>, %arg12: memref<!tpu.dma_semaphore, #tpu.memory_space<semaphore_mem>>, %arg13: memref<!tpu.dma_semaphore, #tpu.memory_space<semaphore_mem>>, %arg14: memref<!tpu.dma_semaphore, #tpu.memory_space<semaphore_mem>>, %arg15: memref<!tpu.dma_semaphore, #tpu.memory_space<semaphore_mem>>) attributes {dimension_semantics = [#tpu.dimension_semantics<core_parallel>, #tpu.dimension_semantics<subcore_parallel>], iteration_bounds = array<i64: 2, 16>, scalar_prefetch = 0 : i64, scratch_operands = 9 : i64, tpu.core_type = #tpu.core_type<sc_vector_subcore>, window_params = [{transform_indices = #map}, {transform_indices = #map}, {transform_indices = #map}, {transform_indices = #map}, {transform_indices = #map}]} {
    %mul3A = arith.constant 2 : i32
    %mul3A_0 = arith.muli %arg1, %mul3A : i32
    %add3A = arith.addi %mul3A_0, %arg0 : i32
    %mul3A_1 = arith.constant 50 : i32
    %mul3A_2 = arith.muli %add3A, %mul3A_1 : i32
    %mul3A_3 = arith.constant 25600 : i32
    %mul3A_4 = arith.muli %add3A, %mul3A_3 : i32
    "tpu.region"() ({
      %run_scoped3A = tpu.sem_alloc : memref<!tpu.dma_semaphore, #tpu.memory_space<semaphore_mem>>
      %dma_start3A = arith.constant 0 : i32
      %dma_start3A_10 = tpu.memref_slice %arg2[%mul3A_2, %dma_start3A] : memref<1600x512xi32, #tpu.memory_space<hbm>> -> memref<50x512xi32, #tpu.memory_space<hbm>>
      %dma_start3A_11 = arith.constant 0 : i32
      %dma_start3A_12 = tpu.memref_slice %arg2[%mul3A_2, %dma_start3A_11] : memref<1600x512xi32, #tpu.memory_space<hbm>> -> memref<50x512xi32, #tpu.memory_space<hbm>>
      tpu.enqueue_dma source(%dma_start3A_12 : memref<50x512xi32, #tpu.memory_space<hbm>>) target(%arg7 : memref<50x512xi32, #tpu.memory_space<vmem>>) target_semaphore(%run_scoped3A : memref<!tpu.dma_semaphore, #tpu.memory_space<semaphore_mem>>)
      %dma_wait3A = arith.constant 0 : i32
      %dma_wait3A_13 = tpu.memref_slice %arg2[%mul3A_2, %dma_wait3A] : memref<1600x512xi32, #tpu.memory_space<hbm>> -> memref<50x512xi32, #tpu.memory_space<hbm>>
      %dma_wait3A_14 = arith.constant 0 : i32
      %dma_wait3A_15 = tpu.memref_slice %arg2[%mul3A_2, %dma_wait3A_14] : memref<1600x512xi32, #tpu.memory_space<hbm>> -> memref<50x512xi32, #tpu.memory_space<hbm>>
      tpu.wait_dma2 semaphore(%run_scoped3A : memref<!tpu.dma_semaphore, #tpu.memory_space<semaphore_mem>>) src(%dma_wait3A_15 : memref<50x512xi32, #tpu.memory_space<hbm>>) dst(%arg7 : memref<50x512xi32, #tpu.memory_space<vmem>>)
      tpu.yield
    }) : () -> ()
    "tpu.region"() ({
      %run_scoped3A = tpu.sem_alloc : memref<!tpu.dma_semaphore, #tpu.memory_space<semaphore_mem>>
      %dma_start3A = arith.constant 0 : i32
      %dma_start3A_10 = tpu.memref_slice %arg3[%mul3A_2, %dma_start3A] : memref<1600x512xi32, #tpu.memory_space<hbm>> -> memref<50x512xi32, #tpu.memory_space<hbm>>
      %dma_start3A_11 = arith.constant 0 : i32
      %dma_start3A_12 = tpu.memref_slice %arg3[%mul3A_2, %dma_start3A_11] : memref<1600x512xi32, #tpu.memory_space<hbm>> -> memref<50x512xi32, #tpu.memory_space<hbm>>
      tpu.enqueue_dma source(%dma_start3A_12 : memref<50x512xi32, #tpu.memory_space<hbm>>) target(%arg8 : memref<50x512xi32, #tpu.memory_space<vmem>>) target_semaphore(%run_scoped3A : memref<!tpu.dma_semaphore, #tpu.memory_space<semaphore_mem>>)
      %dma_wait3A = arith.constant 0 : i32
      %dma_wait3A_13 = tpu.memref_slice %arg3[%mul3A_2, %dma_wait3A] : memref<1600x512xi32, #tpu.memory_space<hbm>> -> memref<50x512xi32, #tpu.memory_space<hbm>>
      %dma_wait3A_14 = arith.constant 0 : i32
      %dma_wait3A_15 = tpu.memref_slice %arg3[%mul3A_2, %dma_wait3A_14] : memref<1600x512xi32, #tpu.memory_space<hbm>> -> memref<50x512xi32, #tpu.memory_space<hbm>>
      tpu.wait_dma2 semaphore(%run_scoped3A : memref<!tpu.dma_semaphore, #tpu.memory_space<semaphore_mem>>) src(%dma_wait3A_15 : memref<50x512xi32, #tpu.memory_space<hbm>>) dst(%arg8 : memref<50x512xi32, #tpu.memory_space<vmem>>)
      tpu.yield
    }) : () -> ()
    "tpu.region"() ({
      %run_scoped3A = tpu.sem_alloc : memref<!tpu.dma_semaphore, #tpu.memory_space<semaphore_mem>>
      tpu.enqueue_dma source(%arg5 : memref<100x32xf32, #tpu.memory_space<hbm>>) target(%arg9 : memref<100x32xf32, #tpu.memory_space<vmem>>) target_semaphore(%run_scoped3A : memref<!tpu.dma_semaphore, #tpu.memory_space<semaphore_mem>>)
      tpu.wait_dma2 semaphore(%run_scoped3A : memref<!tpu.dma_semaphore, #tpu.memory_space<semaphore_mem>>) src(%arg5 : memref<100x32xf32, #tpu.memory_space<hbm>>) dst(%arg9 : memref<100x32xf32, #tpu.memory_space<vmem>>)
      tpu.yield
    }) : () -> ()
    %scan3A = arith.constant 0 : i32
    %scan3A_5 = arith.constant 0 : i32
    %scan3A_6 = arith.constant 25 : i32
    %scan3A_7 = arith.addi %scan3A_5, %scan3A_6 : i32
    %scan3A_8 = arith.constant 1 : i32
    scf.for %scan3A_10 = %scan3A_5 to %scan3A_7 step %scan3A_8  : i32 {
      %mul3A_11 = arith.constant 2 : i32
      %mul3A_12 = arith.muli %mul3A_11, %scan3A_10 : i32
      %add3A_13 = arith.constant 1 : i32
      %add3A_14 = arith.addi %mul3A_12, %add3A_13 : i32
      %mul3A_15 = arith.constant 1 : i32
      %mul3A_16 = arith.muli %mul3A_12, %mul3A_15 : i32
      %add3A_17 = arith.constant 0 : i32
      %add3A_18 = arith.addi %mul3A_16, %add3A_17 : i32
      %dma_start3A = arith.constant 0 : i32
      %dma_start3A_19 = arith.constant 0 : i32
      %dma_start3A_20 = tpu.memref_slice %arg10[%dma_start3A, %dma_start3A_19] : memref<512x32xf32, #tpu.memory_space<vmem>> -> memref<512x32xf32, #tpu.memory_space<vmem>>
      %dma_start3A_21 = arith.constant 0 : i32
      %dma_start3A_22 = tpu.memref_slice %arg7[%add3A_18, %dma_start3A_21] : memref<50x512xi32, #tpu.memory_space<vmem>> -> memref<1x512xi32, #tpu.memory_space<vmem>>
      %dma_start3A_23 = tpu.memref_squeeze %dma_start3A_22 : memref<1x512xi32, #tpu.memory_space<vmem>> -> memref<512xi32, #tpu.memory_space<vmem>>
      %dma_start3A_24 = arith.constant 0 : i32
      %dma_start3A_25 = arith.constant 0 : i32
      %dma_start3A_26 = tpu.memref_slice %arg4[%dma_start3A_24, %dma_start3A_25] : memref<1000000x32xf32, #tpu.memory_space<hbm>> -> memref<1000000x32xf32, #tpu.memory_space<hbm>>
      tpu.enqueue_indirect_dma source(%dma_start3A_26 : memref<1000000x32xf32, #tpu.memory_space<hbm>>) target(%dma_start3A_20 : memref<512x32xf32, #tpu.memory_space<vmem>>) offsets(%dma_start3A_23 : memref<512xi32, #tpu.memory_space<vmem>>) semaphore(%arg12 : memref<!tpu.dma_semaphore, #tpu.memory_space<semaphore_mem>>)
      %mul3A_27 = arith.constant 1 : i32
      %mul3A_28 = arith.muli %add3A_14, %mul3A_27 : i32
      %add3A_29 = arith.constant 0 : i32
      %add3A_30 = arith.addi %mul3A_28, %add3A_29 : i32
      %dma_start3A_31 = arith.constant 0 : i32
      %dma_start3A_32 = arith.constant 0 : i32
      %dma_start3A_33 = tpu.memref_slice %arg11[%dma_start3A_31, %dma_start3A_32] : memref<512x32xf32, #tpu.memory_space<vmem>> -> memref<512x32xf32, #tpu.memory_space<vmem>>
      %dma_start3A_34 = arith.constant 0 : i32
      %dma_start3A_35 = tpu.memref_slice %arg7[%add3A_30, %dma_start3A_34] : memref<50x512xi32, #tpu.memory_space<vmem>> -> memref<1x512xi32, #tpu.memory_space<vmem>>
      %dma_start3A_36 = tpu.memref_squeeze %dma_start3A_35 : memref<1x512xi32, #tpu.memory_space<vmem>> -> memref<512xi32, #tpu.memory_space<vmem>>
      %dma_start3A_37 = arith.constant 0 : i32
      %dma_start3A_38 = arith.constant 0 : i32
      %dma_start3A_39 = tpu.memref_slice %arg4[%dma_start3A_37, %dma_start3A_38] : memref<1000000x32xf32, #tpu.memory_space<hbm>> -> memref<1000000x32xf32, #tpu.memory_space<hbm>>
      tpu.enqueue_indirect_dma source(%dma_start3A_39 : memref<1000000x32xf32, #tpu.memory_space<hbm>>) target(%dma_start3A_33 : memref<512x32xf32, #tpu.memory_space<vmem>>) offsets(%dma_start3A_36 : memref<512xi32, #tpu.memory_space<vmem>>) semaphore(%arg13 : memref<!tpu.dma_semaphore, #tpu.memory_space<semaphore_mem>>)
      %dma_wait3A = arith.constant 0 : i32
      %dma_wait3A_40 = arith.constant 0 : i32
      %dma_wait3A_41 = tpu.memref_slice %arg10[%dma_wait3A, %dma_wait3A_40] : memref<512x32xf32, #tpu.memory_space<vmem>> -> memref<512x32xf32, #tpu.memory_space<vmem>>
      %dma_wait3A_42 = arith.constant 0 : i32
      %dma_wait3A_43 = tpu.memref_slice %arg7[%add3A_18, %dma_wait3A_42] : memref<50x512xi32, #tpu.memory_space<vmem>> -> memref<1x512xi32, #tpu.memory_space<vmem>>
      %dma_wait3A_44 = tpu.memref_squeeze %dma_wait3A_43 : memref<1x512xi32, #tpu.memory_space<vmem>> -> memref<512xi32, #tpu.memory_space<vmem>>
      %dma_wait3A_45 = arith.constant 0 : i32
      %dma_wait3A_46 = arith.constant 0 : i32
      %dma_wait3A_47 = tpu.memref_slice %arg4[%dma_wait3A_45, %dma_wait3A_46] : memref<1000000x32xf32, #tpu.memory_space<hbm>> -> memref<1000000x32xf32, #tpu.memory_space<hbm>>
      tpu.wait_indirect_dma semaphore(%arg12 : memref<!tpu.dma_semaphore, #tpu.memory_space<semaphore_mem>>) src(%dma_wait3A_47 : memref<1000000x32xf32, #tpu.memory_space<hbm>>) dst(%dma_wait3A_41 : memref<512x32xf32, #tpu.memory_space<vmem>>)
      %mul3A_48 = arith.constant 1 : i32
      %mul3A_49 = arith.muli %mul3A_12, %mul3A_48 : i32
      %add3A_50 = arith.constant 0 : i32
      %add3A_51 = arith.addi %mul3A_49, %add3A_50 : i32
      %scan3A_52 = arith.constant 0 : i32
      %scan3A_53 = arith.constant 0 : i32
      %scan3A_54 = arith.constant 32 : i32
      %scan3A_55 = arith.addi %scan3A_53, %scan3A_54 : i32
      %scan3A_56 = arith.constant 1 : i32
      scf.for %scan3A_99 = %scan3A_53 to %scan3A_55 step %scan3A_56  : i32 {
        %mul3A_100 = arith.constant 16 : i32
        %mul3A_101 = arith.muli %scan3A_99, %mul3A_100 : i32
        %get3A = arith.index_cast %add3A_51 : i32 to index
        %get3A_102 = arith.index_cast %mul3A_101 : i32 to index
        %get3A_103 = tpu.vector_load %arg8[%get3A, %get3A_102] {strides = array<i32>} : memref<50x512xi32, #tpu.memory_space<vmem>>, vector<16xi32>,
        %slice3A = vector.extract_strided_slice %get3A_103 {offsets = [0], sizes = [1], strides = [1]} : vector<16xi32> to vector<1xi32>
        %squeeze3A = vector.extract %slice3A[0] : i32 from vector<1xi32>
        %mul3A_104 = arith.constant 16 : i32
        %mul3A_105 = arith.muli %scan3A_99, %mul3A_104 : i32
        %add3A_106 = arith.constant 0 : i32
        %add3A_107 = arith.addi %add3A_106, %mul3A_105 : i32
        %add3A_108 = arith.constant 0 : i32
        %add3A_109 = arith.addi %add3A_107, %add3A_108 : i32
        %get3A_110 = arith.index_cast %squeeze3A : i32 to index
        %get3A_111 = arith.constant 0 : index
        %get3A_112 = tpu.vector_load %arg9[%get3A_110, %get3A_111] {strides = array<i32>} : memref<100x32xf32, #tpu.memory_space<vmem>>, vector<16xf32>,
        %swap3A = arith.index_cast %add3A_109 : i32 to index
        %swap3A_113 = arith.constant 0 : index
        %swap3A_114 = tpu.vector_load %arg10[%swap3A, %swap3A_113] {strides = array<i32>} : memref<512x32xf32, #tpu.memory_space<vmem>>, vector<16xf32>,
        tpu.vector_store %arg10[%swap3A, %swap3A_113], %get3A_112 {add = true, strides = array<i32>} : memref<512x32xf32, #tpu.memory_space<vmem>>, vector<16xf32>,
        %get3A_115 = arith.index_cast %squeeze3A : i32 to index
        %get3A_116 = arith.constant 16 : index
        %get3A_117 = tpu.vector_load %arg9[%get3A_115, %get3A_116] {strides = array<i32>} : memref<100x32xf32, #tpu.memory_space<vmem>>, vector<16xf32>,
        %swap3A_118 = arith.index_cast %add3A_109 : i32 to index
        %swap3A_119 = arith.constant 16 : index
        %swap3A_120 = tpu.vector_load %arg10[%swap3A_118, %swap3A_119] {strides = array<i32>} : memref<512x32xf32, #tpu.memory_space<vmem>>, vector<16xf32>,
        tpu.vector_store %arg10[%swap3A_118, %swap3A_119], %get3A_117 {add = true, strides = array<i32>} : memref<512x32xf32, #tpu.memory_space<vmem>>, vector<16xf32>,
        %slice3A_121 = vector.extract_strided_slice %get3A_103 {offsets = [1], sizes = [1], strides = [1]} : vector<16xi32> to vector<1xi32>
        %squeeze3A_122 = vector.extract %slice3A_121[0] : i32 from vector<1xi32>
        %mul3A_123 = arith.constant 16 : i32
        %mul3A_124 = arith.muli %scan3A_99, %mul3A_123 : i32
        %add3A_125 = arith.constant 0 : i32
        %add3A_126 = arith.addi %add3A_125, %mul3A_124 : i32
        %add3A_127 = arith.constant 1 : i32
        %add3A_128 = arith.addi %add3A_126, %add3A_127 : i32
        %get3A_129 = arith.index_cast %squeeze3A_122 : i32 to index
        %get3A_130 = arith.constant 0 : index
        %get3A_131 = tpu.vector_load %arg9[%get3A_129, %get3A_130] {strides = array<i32>} : memref<100x32xf32, #tpu.memory_space<vmem>>, vector<16xf32>,
        %swap3A_132 = arith.index_cast %add3A_128 : i32 to index
        %swap3A_133 = arith.constant 0 : index
        %swap3A_134 = tpu.vector_load %arg10[%swap3A_132, %swap3A_133] {strides = array<i32>} : memref<512x32xf32, #tpu.memory_space<vmem>>, vector<16xf32>,
        tpu.vector_store %arg10[%swap3A_132, %swap3A_133], %get3A_131 {add = true, strides = array<i32>} : memref<512x32xf32, #tpu.memory_space<vmem>>, vector<16xf32>,
        %get3A_135 = arith.index_cast %squeeze3A_122 : i32 to index
        %get3A_136 = arith.constant 16 : index
        %get3A_137 = tpu.vector_load %arg9[%get3A_135, %get3A_136] {strides = array<i32>} : memref<100x32xf32, #tpu.memory_space<vmem>>, vector<16xf32>,
        %swap3A_138 = arith.index_cast %add3A_128 : i32 to index
        %swap3A_139 = arith.constant 16 : index
        %swap3A_140 = tpu.vector_load %arg10[%swap3A_138, %swap3A_139] {strides = array<i32>} : memref<512x32xf32, #tpu.memory_space<vmem>>, vector<16xf32>,
        tpu.vector_store %arg10[%swap3A_138, %swap3A_139], %get3A_137 {add = true, strides = array<i32>} : memref<512x32xf32, #tpu.memory_space<vmem>>, vector<16xf32>,
        %slice3A_141 = vector.extract_strided_slice %get3A_103 {offsets = [2], sizes = [1], strides = [1]} : vector<16xi32> to vector<1xi32>
        %squeeze3A_142 = vector.extract %slice3A_141[0] : i32 from vector<1xi32>
        %mul3A_143 = arith.constant 16 : i32
        %mul3A_144 = arith.muli %scan3A_99, %mul3A_143 : i32
        %add3A_145 = arith.constant 0 : i32
        %add3A_146 = arith.addi %add3A_145, %mul3A_144 : i32
        %add3A_147 = arith.constant 2 : i32
        %add3A_148 = arith.addi %add3A_146, %add3A_147 : i32
        %get3A_149 = arith.index_cast %squeeze3A_142 : i32 to index
        %get3A_150 = arith.constant 0 : index
        %get3A_151 = tpu.vector_load %arg9[%get3A_149, %get3A_150] {strides = array<i32>} : memref<100x32xf32, #tpu.memory_space<vmem>>, vector<16xf32>,
        %swap3A_152 = arith.index_cast %add3A_148 : i32 to index
        %swap3A_153 = arith.constant 0 : index
        %swap3A_154 = tpu.vector_load %arg10[%swap3A_152, %swap3A_153] {strides = array<i32>} : memref<512x32xf32, #tpu.memory_space<vmem>>, vector<16xf32>,
        tpu.vector_store %arg10[%swap3A_152, %swap3A_153], %get3A_151 {add = true, strides = array<i32>} : memref<512x32xf32, #tpu.memory_space<vmem>>, vector<16xf32>,
        %get3A_155 = arith.index_cast %squeeze3A_142 : i32 to index
        %get3A_156 = arith.constant 16 : index
        %get3A_157 = tpu.vector_load %arg9[%get3A_155, %get3A_156] {strides = array<i32>} : memref<100x32xf32, #tpu.memory_space<vmem>>, vector<16xf32>,
        %swap3A_158 = arith.index_cast %add3A_148 : i32 to index
        %swap3A_159 = arith.constant 16 : index
        %swap3A_160 = tpu.vector_load %arg10[%swap3A_158, %swap3A_159] {strides = array<i32>} : memref<512x32xf32, #tpu.memory_space<vmem>>, vector<16xf32>,
        tpu.vector_store %arg10[%swap3A_158, %swap3A_159], %get3A_157 {add = true, strides = array<i32>} : memref<512x32xf32, #tpu.memory_space<vmem>>, vector<16xf32>,
        %slice3A_161 = vector.extract_strided_slice %get3A_103 {offsets = [3], sizes = [1], strides = [1]} : vector<16xi32> to vector<1xi32>
        %squeeze3A_162 = vector.extract %slice3A_161[0] : i32 from vector<1xi32>
        %mul3A_163 = arith.constant 16 : i32
        %mul3A_164 = arith.muli %scan3A_99, %mul3A_163 : i32
        %add3A_165 = arith.constant 0 : i32
        %add3A_166 = arith.addi %add3A_165, %mul3A_164 : i32
        %add3A_167 = arith.constant 3 : i32
        %add3A_168 = arith.addi %add3A_166, %add3A_167 : i32
        %get3A_169 = arith.index_cast %squeeze3A_162 : i32 to index
        %get3A_170 = arith.constant 0 : index
        %get3A_171 = tpu.vector_load %arg9[%get3A_169, %get3A_170] {strides = array<i32>} : memref<100x32xf32, #tpu.memory_space<vmem>>, vector<16xf32>,
        %swap3A_172 = arith.index_cast %add3A_168 : i32 to index
        %swap3A_173 = arith.constant 0 : index
        %swap3A_174 = tpu.vector_load %arg10[%swap3A_172, %swap3A_173] {strides = array<i32>} : memref<512x32xf32, #tpu.memory_space<vmem>>, vector<16xf32>,
        tpu.vector_store %arg10[%swap3A_172, %swap3A_173], %get3A_171 {add = true, strides = array<i32>} : memref<512x32xf32, #tpu.memory_space<vmem>>, vector<16xf32>,
        %get3A_175 = arith.index_cast %squeeze3A_162 : i32 to index
        %get3A_176 = arith.constant 16 : index
        %get3A_177 = tpu.vector_load %arg9[%get3A_175, %get3A_176] {strides = array<i32>} : memref<100x32xf32, #tpu.memory_space<vmem>>, vector<16xf32>,
        %swap3A_178 = arith.index_cast %add3A_168 : i32 to index
        %swap3A_179 = arith.constant 16 : index
        %swap3A_180 = tpu.vector_load %arg10[%swap3A_178, %swap3A_179] {strides = array<i32>} : memref<512x32xf32, #tpu.memory_space<vmem>>, vector<16xf32>,
        tpu.vector_store %arg10[%swap3A_178, %swap3A_179], %get3A_177 {add = true, strides = array<i32>} : memref<512x32xf32, #tpu.memory_space<vmem>>, vector<16xf32>,
        %slice3A_181 = vector.extract_strided_slice %get3A_103 {offsets = [4], sizes = [1], strides = [1]} : vector<16xi32> to vector<1xi32>
        %squeeze3A_182 = vector.extract %slice3A_181[0] : i32 from vector<1xi32>
        %mul3A_183 = arith.constant 16 : i32
        %mul3A_184 = arith.muli %scan3A_99, %mul3A_183 : i32
        %add3A_185 = arith.constant 0 : i32
        %add3A_186 = arith.addi %add3A_185, %mul3A_184 : i32
        %add3A_187 = arith.constant 4 : i32
        %add3A_188 = arith.addi %add3A_186, %add3A_187 : i32
        %get3A_189 = arith.index_cast %squeeze3A_182 : i32 to index
        %get3A_190 = arith.constant 0 : index
        %get3A_191 = tpu.vector_load %arg9[%get3A_189, %get3A_190] {strides = array<i32>} : memref<100x32xf32, #tpu.memory_space<vmem>>, vector<16xf32>,
        %swap3A_192 = arith.index_cast %add3A_188 : i32 to index
        %swap3A_193 = arith.constant 0 : index
        %swap3A_194 = tpu.vector_load %arg10[%swap3A_192, %swap3A_193] {strides = array<i32>} : memref<512x32xf32, #tpu.memory_space<vmem>>, vector<16xf32>,
        tpu.vector_store %arg10[%swap3A_192, %swap3A_193], %get3A_191 {add = true, strides = array<i32>} : memref<512x32xf32, #tpu.memory_space<vmem>>, vector<16xf32>,
        %get3A_195 = arith.index_cast %squeeze3A_182 : i32 to index
        %get3A_196 = arith.constant 16 : index
        %get3A_197 = tpu.vector_load %arg9[%get3A_195, %get3A_196] {strides = array<i32>} : memref<100x32xf32, #tpu.memory_space<vmem>>, vector<16xf32>,
        %swap3A_198 = arith.index_cast %add3A_188 : i32 to index
        %swap3A_199 = arith.constant 16 : index
        %swap3A_200 = tpu.vector_load %arg10[%swap3A_198, %swap3A_199] {strides = array<i32>} : memref<512x32xf32, #tpu.memory_space<vmem>>, vector<16xf32>,
        tpu.vector_store %arg10[%swap3A_198, %swap3A_199], %get3A_197 {add = true, strides = array<i32>} : memref<512x32xf32, #tpu.memory_space<vmem>>, vector<16xf32>,
        %slice3A_201 = vector.extract_strided_slice %get3A_103 {offsets = [5], sizes = [1], strides = [1]} : vector<16xi32> to vector<1xi32>
        %squeeze3A_202 = vector.extract %slice3A_201[0] : i32 from vector<1xi32>
        %mul3A_203 = arith.constant 16 : i32
        %mul3A_204 = arith.muli %scan3A_99, %mul3A_203 : i32
        %add3A_205 = arith.constant 0 : i32
        %add3A_206 = arith.addi %add3A_205, %mul3A_204 : i32
        %add3A_207 = arith.constant 5 : i32
        %add3A_208 = arith.addi %add3A_206, %add3A_207 : i32
        %get3A_209 = arith.index_cast %squeeze3A_202 : i32 to index
        %get3A_210 = arith.constant 0 : index
        %get3A_211 = tpu.vector_load %arg9[%get3A_209, %get3A_210] {strides = array<i32>} : memref<100x32xf32, #tpu.memory_space<vmem>>, vector<16xf32>,
        %swap3A_212 = arith.index_cast %add3A_208 : i32 to index
        %swap3A_213 = arith.constant 0 : index
        %swap3A_214 = tpu.vector_load %arg10[%swap3A_212, %swap3A_213] {strides = array<i32>} : memref<512x32xf32, #tpu.memory_space<vmem>>, vector<16xf32>,
        tpu.vector_store %arg10[%swap3A_212, %swap3A_213], %get3A_211 {add = true, strides = array<i32>} : memref<512x32xf32, #tpu.memory_space<vmem>>, vector<16xf32>,
        %get3A_215 = arith.index_cast %squeeze3A_202 : i32 to index
        %get3A_216 = arith.constant 16 : index
        %get3A_217 = tpu.vector_load %arg9[%get3A_215, %get3A_216] {strides = array<i32>} : memref<100x32xf32, #tpu.memory_space<vmem>>, vector<16xf32>,
        %swap3A_218 = arith.index_cast %add3A_208 : i32 to index
        %swap3A_219 = arith.constant 16 : index
        %swap3A_220 = tpu.vector_load %arg10[%swap3A_218, %swap3A_219] {strides = array<i32>} : memref<512x32xf32, #tpu.memory_space<vmem>>, vector<16xf32>,
        tpu.vector_store %arg10[%swap3A_218, %swap3A_219], %get3A_217 {add = true, strides = array<i32>} : memref<512x32xf32, #tpu.memory_space<vmem>>, vector<16xf32>,
        %slice3A_221 = vector.extract_strided_slice %get3A_103 {offsets = [6], sizes = [1], strides = [1]} : vector<16xi32> to vector<1xi32>
        %squeeze3A_222 = vector.extract %slice3A_221[0] : i32 from vector<1xi32>
        %mul3A_223 = arith.constant 16 : i32
        %mul3A_224 = arith.muli %scan3A_99, %mul3A_223 : i32
        %add3A_225 = arith.constant 0 : i32
        %add3A_226 = arith.addi %add3A_225, %mul3A_224 : i32
        %add3A_227 = arith.constant 6 : i32
        %add3A_228 = arith.addi %add3A_226, %add3A_227 : i32
        %get3A_229 = arith.index_cast %squeeze3A_222 : i32 to index
        %get3A_230 = arith.constant 0 : index
        %get3A_231 = tpu.vector_load %arg9[%get3A_229, %get3A_230] {strides = array<i32>} : memref<100x32xf32, #tpu.memory_space<vmem>>, vector<16xf32>,
        %swap3A_232 = arith.index_cast %add3A_228 : i32 to index
        %swap3A_233 = arith.constant 0 : index
        %swap3A_234 = tpu.vector_load %arg10[%swap3A_232, %swap3A_233] {strides = array<i32>} : memref<512x32xf32, #tpu.memory_space<vmem>>, vector<16xf32>,
        tpu.vector_store %arg10[%swap3A_232, %swap3A_233], %get3A_231 {add = true, strides = array<i32>} : memref<512x32xf32, #tpu.memory_space<vmem>>, vector<16xf32>,
        %get3A_235 = arith.index_cast %squeeze3A_222 : i32 to index
        %get3A_236 = arith.constant 16 : index
        %get3A_237 = tpu.vector_load %arg9[%get3A_235, %get3A_236] {strides = array<i32>} : memref<100x32xf32, #tpu.memory_space<vmem>>, vector<16xf32>,
        %swap3A_238 = arith.index_cast %add3A_228 : i32 to index
        %swap3A_239 = arith.constant 16 : index
        %swap3A_240 = tpu.vector_load %arg10[%swap3A_238, %swap3A_239] {strides = array<i32>} : memref<512x32xf32, #tpu.memory_space<vmem>>, vector<16xf32>,
        tpu.vector_store %arg10[%swap3A_238, %swap3A_239], %get3A_237 {add = true, strides = array<i32>} : memref<512x32xf32, #tpu.memory_space<vmem>>, vector<16xf32>,
        %slice3A_241 = vector.extract_strided_slice %get3A_103 {offsets = [7], sizes = [1], strides = [1]} : vector<16xi32> to vector<1xi32>
        %squeeze3A_242 = vector.extract %slice3A_241[0] : i32 from vector<1xi32>
        %mul3A_243 = arith.constant 16 : i32
        %mul3A_244 = arith.muli %scan3A_99, %mul3A_243 : i32
        %add3A_245 = arith.constant 0 : i32
        %add3A_246 = arith.addi %add3A_245, %mul3A_244 : i32
        %add3A_247 = arith.constant 7 : i32
        %add3A_248 = arith.addi %add3A_246, %add3A_247 : i32
        %get3A_249 = arith.index_cast %squeeze3A_242 : i32 to index
        %get3A_250 = arith.constant 0 : index
        %get3A_251 = tpu.vector_load %arg9[%get3A_249, %get3A_250] {strides = array<i32>} : memref<100x32xf32, #tpu.memory_space<vmem>>, vector<16xf32>,
        %swap3A_252 = arith.index_cast %add3A_248 : i32 to index
        %swap3A_253 = arith.constant 0 : index
        %swap3A_254 = tpu.vector_load %arg10[%swap3A_252, %swap3A_253] {strides = array<i32>} : memref<512x32xf32, #tpu.memory_space<vmem>>, vector<16xf32>,
        tpu.vector_store %arg10[%swap3A_252, %swap3A_253], %get3A_251 {add = true, strides = array<i32>} : memref<512x32xf32, #tpu.memory_space<vmem>>, vector<16xf32>,
        %get3A_255 = arith.index_cast %squeeze3A_242 : i32 to index
        %get3A_256 = arith.constant 16 : index
        %get3A_257 = tpu.vector_load %arg9[%get3A_255, %get3A_256] {strides = array<i32>} : memref<100x32xf32, #tpu.memory_space<vmem>>, vector<16xf32>,
        %swap3A_258 = arith.index_cast %add3A_248 : i32 to index
        %swap3A_259 = arith.constant 16 : index
        %swap3A_260 = tpu.vector_load %arg10[%swap3A_258, %swap3A_259] {strides = array<i32>} : memref<512x32xf32, #tpu.memory_space<vmem>>, vector<16xf32>,
        tpu.vector_store %arg10[%swap3A_258, %swap3A_259], %get3A_257 {add = true, strides = array<i32>} : memref<512x32xf32, #tpu.memory_space<vmem>>, vector<16xf32>,
        %slice3A_261 = vector.extract_strided_slice %get3A_103 {offsets = [8], sizes = [1], strides = [1]} : vector<16xi32> to vector<1xi32>
        %squeeze3A_262 = vector.extract %slice3A_261[0] : i32 from vector<1xi32>
        %mul3A_263 = arith.constant 16 : i32
        %mul3A_264 = arith.muli %scan3A_99, %mul3A_263 : i32
        %add3A_265 = arith.constant 0 : i32
        %add3A_266 = arith.addi %add3A_265, %mul3A_264 : i32
        %add3A_267 = arith.constant 8 : i32
        %add3A_268 = arith.addi %add3A_266, %add3A_267 : i32
        %get3A_269 = arith.index_cast %squeeze3A_262 : i32 to index
        %get3A_270 = arith.constant 0 : index
        %get3A_271 = tpu.vector_load %arg9[%get3A_269, %get3A_270] {strides = array<i32>} : memref<100x32xf32, #tpu.memory_space<vmem>>, vector<16xf32>,
        %swap3A_272 = arith.index_cast %add3A_268 : i32 to index
        %swap3A_273 = arith.constant 0 : index
        %swap3A_274 = tpu.vector_load %arg10[%swap3A_272, %swap3A_273] {strides = array<i32>} : memref<512x32xf32, #tpu.memory_space<vmem>>, vector<16xf32>,
        tpu.vector_store %arg10[%swap3A_272, %swap3A_273], %get3A_271 {add = true, strides = array<i32>} : memref<512x32xf32, #tpu.memory_space<vmem>>, vector<16xf32>,
        %get3A_275 = arith.index_cast %squeeze3A_262 : i32 to index
        %get3A_276 = arith.constant 16 : index
        %get3A_277 = tpu.vector_load %arg9[%get3A_275, %get3A_276] {strides = array<i32>} : memref<100x32xf32, #tpu.memory_space<vmem>>, vector<16xf32>,
        %swap3A_278 = arith.index_cast %add3A_268 : i32 to index
        %swap3A_279 = arith.constant 16 : index
        %swap3A_280 = tpu.vector_load %arg10[%swap3A_278, %swap3A_279] {strides = array<i32>} : memref<512x32xf32, #tpu.memory_space<vmem>>, vector<16xf32>,
        tpu.vector_store %arg10[%swap3A_278, %swap3A_279], %get3A_277 {add = true, strides = array<i32>} : memref<512x32xf32, #tpu.memory_space<vmem>>, vector<16xf32>,
        %slice3A_281 = vector.extract_strided_slice %get3A_103 {offsets = [9], sizes = [1], strides = [1]} : vector<16xi32> to vector<1xi32>
        %squeeze3A_282 = vector.extract %slice3A_281[0] : i32 from vector<1xi32>
        %mul3A_283 = arith.constant 16 : i32
        %mul3A_284 = arith.muli %scan3A_99, %mul3A_283 : i32
        %add3A_285 = arith.constant 0 : i32
        %add3A_286 = arith.addi %add3A_285, %mul3A_284 : i32
        %add3A_287 = arith.constant 9 : i32
        %add3A_288 = arith.addi %add3A_286, %add3A_287 : i32
        %get3A_289 = arith.index_cast %squeeze3A_282 : i32 to index
        %get3A_290 = arith.constant 0 : index
        %get3A_291 = tpu.vector_load %arg9[%get3A_289, %get3A_290] {strides = array<i32>} : memref<100x32xf32, #tpu.memory_space<vmem>>, vector<16xf32>,
        %swap3A_292 = arith.index_cast %add3A_288 : i32 to index
        %swap3A_293 = arith.constant 0 : index
        %swap3A_294 = tpu.vector_load %arg10[%swap3A_292, %swap3A_293] {strides = array<i32>} : memref<512x32xf32, #tpu.memory_space<vmem>>, vector<16xf32>,
        tpu.vector_store %arg10[%swap3A_292, %swap3A_293], %get3A_291 {add = true, strides = array<i32>} : memref<512x32xf32, #tpu.memory_space<vmem>>, vector<16xf32>,
        %get3A_295 = arith.index_cast %squeeze3A_282 : i32 to index
        %get3A_296 = arith.constant 16 : index
        %get3A_297 = tpu.vector_load %arg9[%get3A_295, %get3A_296] {strides = array<i32>} : memref<100x32xf32, #tpu.memory_space<vmem>>, vector<16xf32>,
        %swap3A_298 = arith.index_cast %add3A_288 : i32 to index
        %swap3A_299 = arith.constant 16 : index
        %swap3A_300 = tpu.vector_load %arg10[%swap3A_298, %swap3A_299] {strides = array<i32>} : memref<512x32xf32, #tpu.memory_space<vmem>>, vector<16xf32>,
        tpu.vector_store %arg10[%swap3A_298, %swap3A_299], %get3A_297 {add = true, strides = array<i32>} : memref<512x32xf32, #tpu.memory_space<vmem>>, vector<16xf32>,
        %slice3A_301 = vector.extract_strided_slice %get3A_103 {offsets = [10], sizes = [1], strides = [1]} : vector<16xi32> to vector<1xi32>
        %squeeze3A_302 = vector.extract %slice3A_301[0] : i32 from vector<1xi32>
        %mul3A_303 = arith.constant 16 : i32
        %mul3A_304 = arith.muli %scan3A_99, %mul3A_303 : i32
        %add3A_305 = arith.constant 0 : i32
        %add3A_306 = arith.addi %add3A_305, %mul3A_304 : i32
        %add3A_307 = arith.constant 10 : i32
        %add3A_308 = arith.addi %add3A_306, %add3A_307 : i32
        %get3A_309 = arith.index_cast %squeeze3A_302 : i32 to index
        %get3A_310 = arith.constant 0 : index
        %get3A_311 = tpu.vector_load %arg9[%get3A_309, %get3A_310] {strides = array<i32>} : memref<100x32xf32, #tpu.memory_space<vmem>>, vector<16xf32>,
        %swap3A_312 = arith.index_cast %add3A_308 : i32 to index
        %swap3A_313 = arith.constant 0 : index
        %swap3A_314 = tpu.vector_load %arg10[%swap3A_312, %swap3A_313] {strides = array<i32>} : memref<512x32xf32, #tpu.memory_space<vmem>>, vector<16xf32>,
        tpu.vector_store %arg10[%swap3A_312, %swap3A_313], %get3A_311 {add = true, strides = array<i32>} : memref<512x32xf32, #tpu.memory_space<vmem>>, vector<16xf32>,
        %get3A_315 = arith.index_cast %squeeze3A_302 : i32 to index
        %get3A_316 = arith.constant 16 : index
        %get3A_317 = tpu.vector_load %arg9[%get3A_315, %get3A_316] {strides = array<i32>} : memref<100x32xf32, #tpu.memory_space<vmem>>, vector<16xf32>,
        %swap3A_318 = arith.index_cast %add3A_308 : i32 to index
        %swap3A_319 = arith.constant 16 : index
        %swap3A_320 = tpu.vector_load %arg10[%swap3A_318, %swap3A_319] {strides = array<i32>} : memref<512x32xf32, #tpu.memory_space<vmem>>, vector<16xf32>,
        tpu.vector_store %arg10[%swap3A_318, %swap3A_319], %get3A_317 {add = true, strides = array<i32>} : memref<512x32xf32, #tpu.memory_space<vmem>>, vector<16xf32>,
        %slice3A_321 = vector.extract_strided_slice %get3A_103 {offsets = [11], sizes = [1], strides = [1]} : vector<16xi32> to vector<1xi32>
        %squeeze3A_322 = vector.extract %slice3A_321[0] : i32 from vector<1xi32>
        %mul3A_323 = arith.constant 16 : i32
        %mul3A_324 = arith.muli %scan3A_99, %mul3A_323 : i32
        %add3A_325 = arith.constant 0 : i32
        %add3A_326 = arith.addi %add3A_325, %mul3A_324 : i32
        %add3A_327 = arith.constant 11 : i32
        %add3A_328 = arith.addi %add3A_326, %add3A_327 : i32
        %get3A_329 = arith.index_cast %squeeze3A_322 : i32 to index
        %get3A_330 = arith.constant 0 : index
        %get3A_331 = tpu.vector_load %arg9[%get3A_329, %get3A_330] {strides = array<i32>} : memref<100x32xf32, #tpu.memory_space<vmem>>, vector<16xf32>,
        %swap3A_332 = arith.index_cast %add3A_328 : i32 to index
        %swap3A_333 = arith.constant 0 : index
        %swap3A_334 = tpu.vector_load %arg10[%swap3A_332, %swap3A_333] {strides = array<i32>} : memref<512x32xf32, #tpu.memory_space<vmem>>, vector<16xf32>,
        tpu.vector_store %arg10[%swap3A_332, %swap3A_333], %get3A_331 {add = true, strides = array<i32>} : memref<512x32xf32, #tpu.memory_space<vmem>>, vector<16xf32>,
        %get3A_335 = arith.index_cast %squeeze3A_322 : i32 to index
        %get3A_336 = arith.constant 16 : index
        %get3A_337 = tpu.vector_load %arg9[%get3A_335, %get3A_336] {strides = array<i32>} : memref<100x32xf32, #tpu.memory_space<vmem>>, vector<16xf32>,
        %swap3A_338 = arith.index_cast %add3A_328 : i32 to index
        %swap3A_339 = arith.constant 16 : index
        %swap3A_340 = tpu.vector_load %arg10[%swap3A_338, %swap3A_339] {strides = array<i32>} : memref<512x32xf32, #tpu.memory_space<vmem>>, vector<16xf32>,
        tpu.vector_store %arg10[%swap3A_338, %swap3A_339], %get3A_337 {add = true, strides = array<i32>} : memref<512x32xf32, #tpu.memory_space<vmem>>, vector<16xf32>,
        %slice3A_341 = vector.extract_strided_slice %get3A_103 {offsets = [12], sizes = [1], strides = [1]} : vector<16xi32> to vector<1xi32>
        %squeeze3A_342 = vector.extract %slice3A_341[0] : i32 from vector<1xi32>
        %mul3A_343 = arith.constant 16 : i32
        %mul3A_344 = arith.muli %scan3A_99, %mul3A_343 : i32
        %add3A_345 = arith.constant 0 : i32
        %add3A_346 = arith.addi %add3A_345, %mul3A_344 : i32
        %add3A_347 = arith.constant 12 : i32
        %add3A_348 = arith.addi %add3A_346, %add3A_347 : i32
        %get3A_349 = arith.index_cast %squeeze3A_342 : i32 to index
        %get3A_350 = arith.constant 0 : index
        %get3A_351 = tpu.vector_load %arg9[%get3A_349, %get3A_350] {strides = array<i32>} : memref<100x32xf32, #tpu.memory_space<vmem>>, vector<16xf32>,
        %swap3A_352 = arith.index_cast %add3A_348 : i32 to index
        %swap3A_353 = arith.constant 0 : index
        %swap3A_354 = tpu.vector_load %arg10[%swap3A_352, %swap3A_353] {strides = array<i32>} : memref<512x32xf32, #tpu.memory_space<vmem>>, vector<16xf32>,
        tpu.vector_store %arg10[%swap3A_352, %swap3A_353], %get3A_351 {add = true, strides = array<i32>} : memref<512x32xf32, #tpu.memory_space<vmem>>, vector<16xf32>,
        %get3A_355 = arith.index_cast %squeeze3A_342 : i32 to index
        %get3A_356 = arith.constant 16 : index
        %get3A_357 = tpu.vector_load %arg9[%get3A_355, %get3A_356] {strides = array<i32>} : memref<100x32xf32, #tpu.memory_space<vmem>>, vector<16xf32>,
        %swap3A_358 = arith.index_cast %add3A_348 : i32 to index
        %swap3A_359 = arith.constant 16 : index
        %swap3A_360 = tpu.vector_load %arg10[%swap3A_358, %swap3A_359] {strides = array<i32>} : memref<512x32xf32, #tpu.memory_space<vmem>>, vector<16xf32>,
        tpu.vector_store %arg10[%swap3A_358, %swap3A_359], %get3A_357 {add = true, strides = array<i32>} : memref<512x32xf32, #tpu.memory_space<vmem>>, vector<16xf32>,
        %slice3A_361 = vector.extract_strided_slice %get3A_103 {offsets = [13], sizes = [1], strides = [1]} : vector<16xi32> to vector<1xi32>
        %squeeze3A_362 = vector.extract %slice3A_361[0] : i32 from vector<1xi32>
        %mul3A_363 = arith.constant 16 : i32
        %mul3A_364 = arith.muli %scan3A_99, %mul3A_363 : i32
        %add3A_365 = arith.constant 0 : i32
        %add3A_366 = arith.addi %add3A_365, %mul3A_364 : i32
        %add3A_367 = arith.constant 13 : i32
        %add3A_368 = arith.addi %add3A_366, %add3A_367 : i32
        %get3A_369 = arith.index_cast %squeeze3A_362 : i32 to index
        %get3A_370 = arith.constant 0 : index
        %get3A_371 = tpu.vector_load %arg9[%get3A_369, %get3A_370] {strides = array<i32>} : memref<100x32xf32, #tpu.memory_space<vmem>>, vector<16xf32>,
        %swap3A_372 = arith.index_cast %add3A_368 : i32 to index
        %swap3A_373 = arith.constant 0 : index
        %swap3A_374 = tpu.vector_load %arg10[%swap3A_372, %swap3A_373] {strides = array<i32>} : memref<512x32xf32, #tpu.memory_space<vmem>>, vector<16xf32>,
        tpu.vector_store %arg10[%swap3A_372, %swap3A_373], %get3A_371 {add = true, strides = array<i32>} : memref<512x32xf32, #tpu.memory_space<vmem>>, vector<16xf32>,
        %get3A_375 = arith.index_cast %squeeze3A_362 : i32 to index
        %get3A_376 = arith.constant 16 : index
        %get3A_377 = tpu.vector_load %arg9[%get3A_375, %get3A_376] {strides = array<i32>} : memref<100x32xf32, #tpu.memory_space<vmem>>, vector<16xf32>,
        %swap3A_378 = arith.index_cast %add3A_368 : i32 to index
        %swap3A_379 = arith.constant 16 : index
        %swap3A_380 = tpu.vector_load %arg10[%swap3A_378, %swap3A_379] {strides = array<i32>} : memref<512x32xf32, #tpu.memory_space<vmem>>, vector<16xf32>,
        tpu.vector_store %arg10[%swap3A_378, %swap3A_379], %get3A_377 {add = true, strides = array<i32>} : memref<512x32xf32, #tpu.memory_space<vmem>>, vector<16xf32>,
        %slice3A_381 = vector.extract_strided_slice %get3A_103 {offsets = [14], sizes = [1], strides = [1]} : vector<16xi32> to vector<1xi32>
        %squeeze3A_382 = vector.extract %slice3A_381[0] : i32 from vector<1xi32>
        %mul3A_383 = arith.constant 16 : i32
        %mul3A_384 = arith.muli %scan3A_99, %mul3A_383 : i32
        %add3A_385 = arith.constant 0 : i32
        %add3A_386 = arith.addi %add3A_385, %mul3A_384 : i32
        %add3A_387 = arith.constant 14 : i32
        %add3A_388 = arith.addi %add3A_386, %add3A_387 : i32
        %get3A_389 = arith.index_cast %squeeze3A_382 : i32 to index
        %get3A_390 = arith.constant 0 : index
        %get3A_391 = tpu.vector_load %arg9[%get3A_389, %get3A_390] {strides = array<i32>} : memref<100x32xf32, #tpu.memory_space<vmem>>, vector<16xf32>,
        %swap3A_392 = arith.index_cast %add3A_388 : i32 to index
        %swap3A_393 = arith.constant 0 : index
        %swap3A_394 = tpu.vector_load %arg10[%swap3A_392, %swap3A_393] {strides = array<i32>} : memref<512x32xf32, #tpu.memory_space<vmem>>, vector<16xf32>,
        tpu.vector_store %arg10[%swap3A_392, %swap3A_393], %get3A_391 {add = true, strides = array<i32>} : memref<512x32xf32, #tpu.memory_space<vmem>>, vector<16xf32>,
        %get3A_395 = arith.index_cast %squeeze3A_382 : i32 to index
        %get3A_396 = arith.constant 16 : index
        %get3A_397 = tpu.vector_load %arg9[%get3A_395, %get3A_396] {strides = array<i32>} : memref<100x32xf32, #tpu.memory_space<vmem>>, vector<16xf32>,
        %swap3A_398 = arith.index_cast %add3A_388 : i32 to index
        %swap3A_399 = arith.constant 16 : index
        %swap3A_400 = tpu.vector_load %arg10[%swap3A_398, %swap3A_399] {strides = array<i32>} : memref<512x32xf32, #tpu.memory_space<vmem>>, vector<16xf32>,
        tpu.vector_store %arg10[%swap3A_398, %swap3A_399], %get3A_397 {add = true, strides = array<i32>} : memref<512x32xf32, #tpu.memory_space<vmem>>, vector<16xf32>,
        %slice3A_401 = vector.extract_strided_slice %get3A_103 {offsets = [15], sizes = [1], strides = [1]} : vector<16xi32> to vector<1xi32>
        %squeeze3A_402 = vector.extract %slice3A_401[0] : i32 from vector<1xi32>
        %mul3A_403 = arith.constant 16 : i32
        %mul3A_404 = arith.muli %scan3A_99, %mul3A_403 : i32
        %add3A_405 = arith.constant 0 : i32
        %add3A_406 = arith.addi %add3A_405, %mul3A_404 : i32
        %add3A_407 = arith.constant 15 : i32
        %add3A_408 = arith.addi %add3A_406, %add3A_407 : i32
        %get3A_409 = arith.index_cast %squeeze3A_402 : i32 to index
        %get3A_410 = arith.constant 0 : index
        %get3A_411 = tpu.vector_load %arg9[%get3A_409, %get3A_410] {strides = array<i32>} : memref<100x32xf32, #tpu.memory_space<vmem>>, vector<16xf32>,
        %swap3A_412 = arith.index_cast %add3A_408 : i32 to index
        %swap3A_413 = arith.constant 0 : index
        %swap3A_414 = tpu.vector_load %arg10[%swap3A_412, %swap3A_413] {strides = array<i32>} : memref<512x32xf32, #tpu.memory_space<vmem>>, vector<16xf32>,
        tpu.vector_store %arg10[%swap3A_412, %swap3A_413], %get3A_411 {add = true, strides = array<i32>} : memref<512x32xf32, #tpu.memory_space<vmem>>, vector<16xf32>,
        %get3A_415 = arith.index_cast %squeeze3A_402 : i32 to index
        %get3A_416 = arith.constant 16 : index
        %get3A_417 = tpu.vector_load %arg9[%get3A_415, %get3A_416] {strides = array<i32>} : memref<100x32xf32, #tpu.memory_space<vmem>>, vector<16xf32>,
        %swap3A_418 = arith.index_cast %add3A_408 : i32 to index
        %swap3A_419 = arith.constant 16 : index
        %swap3A_420 = tpu.vector_load %arg10[%swap3A_418, %swap3A_419] {strides = array<i32>} : memref<512x32xf32, #tpu.memory_space<vmem>>, vector<16xf32>,
        tpu.vector_store %arg10[%swap3A_418, %swap3A_419], %get3A_417 {add = true, strides = array<i32>} : memref<512x32xf32, #tpu.memory_space<vmem>>, vector<16xf32>,
      }
      %scan3A_57 = arith.constant 32 : i32
      %mul3A_58 = arith.constant 512 : i32
      %mul3A_59 = arith.muli %mul3A_12, %mul3A_58 : i32
      %add3A_60 = arith.addi %mul3A_4, %mul3A_59 : i32
      %dma_start3A_61 = arith.constant 0 : i32
      %dma_start3A_62 = tpu.memref_slice %arg6[%add3A_60, %dma_start3A_61] : memref<819200x32xf32, #tpu.memory_space<hbm>> -> memref<512x32xf32, #tpu.memory_space<hbm>>
      %dma_start3A_63 = arith.constant 0 : i32
      %dma_start3A_64 = tpu.memref_slice %arg6[%add3A_60, %dma_start3A_63] : memref<819200x32xf32, #tpu.memory_space<hbm>> -> memref<512x32xf32, #tpu.memory_space<hbm>>
      tpu.enqueue_dma source(%arg10 : memref<512x32xf32, #tpu.memory_space<vmem>>) target(%dma_start3A_64 : memref<512x32xf32, #tpu.memory_space<hbm>>) target_semaphore(%arg14 : memref<!tpu.dma_semaphore, #tpu.memory_space<semaphore_mem>>)
      %dma_wait3A_65 = arith.constant 0 : i32
      %dma_wait3A_66 = arith.constant 0 : i32
      %dma_wait3A_67 = tpu.memref_slice %arg11[%dma_wait3A_65, %dma_wait3A_66] : memref<512x32xf32, #tpu.memory_space<vmem>> -> memref<512x32xf32, #tpu.memory_space<vmem>>
      %dma_wait3A_68 = arith.constant 0 : i32
      %dma_wait3A_69 = tpu.memref_slice %arg7[%add3A_30, %dma_wait3A_68] : memref<50x512xi32, #tpu.memory_space<vmem>> -> memref<1x512xi32, #tpu.memory_space<vmem>>
      %dma_wait3A_70 = tpu.memref_squeeze %dma_wait3A_69 : memref<1x512xi32, #tpu.memory_space<vmem>> -> memref<512xi32, #tpu.memory_space<vmem>>
      %dma_wait3A_71 = arith.constant 0 : i32
      %dma_wait3A_72 = arith.constant 0 : i32
      %dma_wait3A_73 = tpu.memref_slice %arg4[%dma_wait3A_71, %dma_wait3A_72] : memref<1000000x32xf32, #tpu.memory_space<hbm>> -> memref<1000000x32xf32, #tpu.memory_space<hbm>>
      tpu.wait_indirect_dma semaphore(%arg13 : memref<!tpu.dma_semaphore, #tpu.memory_space<semaphore_mem>>) src(%dma_wait3A_73 : memref<1000000x32xf32, #tpu.memory_space<hbm>>) dst(%dma_wait3A_67 : memref<512x32xf32, #tpu.memory_space<vmem>>)
      %mul3A_74 = arith.constant 1 : i32
      %mul3A_75 = arith.muli %add3A_14, %mul3A_74 : i32
      %add3A_76 = arith.constant 0 : i32
      %add3A_77 = arith.addi %mul3A_75, %add3A_76 : i32
      %scan3A_78 = arith.constant 0 : i32
      %scan3A_79 = arith.constant 0 : i32
      %scan3A_80 = arith.constant 32 : i32
      %scan3A_81 = arith.addi %scan3A_79, %scan3A_80 : i32
      %scan3A_82 = arith.constant 1 : i32
      scf.for %scan3A_99 = %scan3A_79 to %scan3A_81 step %scan3A_82  : i32 {
        %mul3A_100 = arith.constant 16 : i32
        %mul3A_101 = arith.muli %scan3A_99, %mul3A_100 : i32
        %get3A = arith.index_cast %add3A_77 : i32 to index
        %get3A_102 = arith.index_cast %mul3A_101 : i32 to index
        %get3A_103 = tpu.vector_load %arg8[%get3A, %get3A_102] {strides = array<i32>} : memref<50x512xi32, #tpu.memory_space<vmem>>, vector<16xi32>,
        %slice3A = vector.extract_strided_slice %get3A_103 {offsets = [0], sizes = [1], strides = [1]} : vector<16xi32> to vector<1xi32>
        %squeeze3A = vector.extract %slice3A[0] : i32 from vector<1xi32>
        %mul3A_104 = arith.constant 16 : i32
        %mul3A_105 = arith.muli %scan3A_99, %mul3A_104 : i32
        %add3A_106 = arith.constant 0 : i32
        %add3A_107 = arith.addi %add3A_106, %mul3A_105 : i32
        %add3A_108 = arith.constant 0 : i32
        %add3A_109 = arith.addi %add3A_107, %add3A_108 : i32
        %get3A_110 = arith.index_cast %squeeze3A : i32 to index
        %get3A_111 = arith.constant 0 : index
        %get3A_112 = tpu.vector_load %arg9[%get3A_110, %get3A_111] {strides = array<i32>} : memref<100x32xf32, #tpu.memory_space<vmem>>, vector<16xf32>,
        %swap3A = arith.index_cast %add3A_109 : i32 to index
        %swap3A_113 = arith.constant 0 : index
        %swap3A_114 = tpu.vector_load %arg11[%swap3A, %swap3A_113] {strides = array<i32>} : memref<512x32xf32, #tpu.memory_space<vmem>>, vector<16xf32>,
        tpu.vector_store %arg11[%swap3A, %swap3A_113], %get3A_112 {add = true, strides = array<i32>} : memref<512x32xf32, #tpu.memory_space<vmem>>, vector<16xf32>,
        %get3A_115 = arith.index_cast %squeeze3A : i32 to index
        %get3A_116 = arith.constant 16 : index
        %get3A_117 = tpu.vector_load %arg9[%get3A_115, %get3A_116] {strides = array<i32>} : memref<100x32xf32, #tpu.memory_space<vmem>>, vector<16xf32>,
        %swap3A_118 = arith.index_cast %add3A_109 : i32 to index
        %swap3A_119 = arith.constant 16 : index
        %swap3A_120 = tpu.vector_load %arg11[%swap3A_118, %swap3A_119] {strides = array<i32>} : memref<512x32xf32, #tpu.memory_space<vmem>>, vector<16xf32>,
        tpu.vector_store %arg11[%swap3A_118, %swap3A_119], %get3A_117 {add = true, strides = array<i32>} : memref<512x32xf32, #tpu.memory_space<vmem>>, vector<16xf32>,
        %slice3A_121 = vector.extract_strided_slice %get3A_103 {offsets = [1], sizes = [1], strides = [1]} : vector<16xi32> to vector<1xi32>
        %squeeze3A_122 = vector.extract %slice3A_121[0] : i32 from vector<1xi32>
        %mul3A_123 = arith.constant 16 : i32
        %mul3A_124 = arith.muli %scan3A_99, %mul3A_123 : i32
        %add3A_125 = arith.constant 0 : i32
        %add3A_126 = arith.addi %add3A_125, %mul3A_124 : i32
        %add3A_127 = arith.constant 1 : i32
        %add3A_128 = arith.addi %add3A_126, %add3A_127 : i32
        %get3A_129 = arith.index_cast %squeeze3A_122 : i32 to index
        %get3A_130 = arith.constant 0 : index
        %get3A_131 = tpu.vector_load %arg9[%get3A_129, %get3A_130] {strides = array<i32>} : memref<100x32xf32, #tpu.memory_space<vmem>>, vector<16xf32>,
        %swap3A_132 = arith.index_cast %add3A_128 : i32 to index
        %swap3A_133 = arith.constant 0 : index
        %swap3A_134 = tpu.vector_load %arg11[%swap3A_132, %swap3A_133] {strides = array<i32>} : memref<512x32xf32, #tpu.memory_space<vmem>>, vector<16xf32>,
        tpu.vector_store %arg11[%swap3A_132, %swap3A_133], %get3A_131 {add = true, strides = array<i32>} : memref<512x32xf32, #tpu.memory_space<vmem>>, vector<16xf32>,
        %get3A_135 = arith.index_cast %squeeze3A_122 : i32 to index
        %get3A_136 = arith.constant 16 : index
        %get3A_137 = tpu.vector_load %arg9[%get3A_135, %get3A_136] {strides = array<i32>} : memref<100x32xf32, #tpu.memory_space<vmem>>, vector<16xf32>,
        %swap3A_138 = arith.index_cast %add3A_128 : i32 to index
        %swap3A_139 = arith.constant 16 : index
        %swap3A_140 = tpu.vector_load %arg11[%swap3A_138, %swap3A_139] {strides = array<i32>} : memref<512x32xf32, #tpu.memory_space<vmem>>, vector<16xf32>,
        tpu.vector_store %arg11[%swap3A_138, %swap3A_139], %get3A_137 {add = true, strides = array<i32>} : memref<512x32xf32, #tpu.memory_space<vmem>>, vector<16xf32>,
        %slice3A_141 = vector.extract_strided_slice %get3A_103 {offsets = [2], sizes = [1], strides = [1]} : vector<16xi32> to vector<1xi32>
        %squeeze3A_142 = vector.extract %slice3A_141[0] : i32 from vector<1xi32>
        %mul3A_143 = arith.constant 16 : i32
        %mul3A_144 = arith.muli %scan3A_99, %mul3A_143 : i32
        %add3A_145 = arith.constant 0 : i32
        %add3A_146 = arith.addi %add3A_145, %mul3A_144 : i32
        %add3A_147 = arith.constant 2 : i32
        %add3A_148 = arith.addi %add3A_146, %add3A_147 : i32
        %get3A_149 = arith.index_cast %squeeze3A_142 : i32 to index
        %get3A_150 = arith.constant 0 : index
        %get3A_151 = tpu.vector_load %arg9[%get3A_149, %get3A_150] {strides = array<i32>} : memref<100x32xf32, #tpu.memory_space<vmem>>, vector<16xf32>,
        %swap3A_152 = arith.index_cast %add3A_148 : i32 to index
        %swap3A_153 = arith.constant 0 : index
        %swap3A_154 = tpu.vector_load %arg11[%swap3A_152, %swap3A_153] {strides = array<i32>} : memref<512x32xf32, #tpu.memory_space<vmem>>, vector<16xf32>,
        tpu.vector_store %arg11[%swap3A_152, %swap3A_153], %get3A_151 {add = true, strides = array<i32>} : memref<512x32xf32, #tpu.memory_space<vmem>>, vector<16xf32>,
        %get3A_155 = arith.index_cast %squeeze3A_142 : i32 to index
        %get3A_156 = arith.constant 16 : index
        %get3A_157 = tpu.vector_load %arg9[%get3A_155, %get3A_156] {strides = array<i32>} : memref<100x32xf32, #tpu.memory_space<vmem>>, vector<16xf32>,
        %swap3A_158 = arith.index_cast %add3A_148 : i32 to index
        %swap3A_159 = arith.constant 16 : index
        %swap3A_160 = tpu.vector_load %arg11[%swap3A_158, %swap3A_159] {strides = array<i32>} : memref<512x32xf32, #tpu.memory_space<vmem>>, vector<16xf32>,
        tpu.vector_store %arg11[%swap3A_158, %swap3A_159], %get3A_157 {add = true, strides = array<i32>} : memref<512x32xf32, #tpu.memory_space<vmem>>, vector<16xf32>,
        %slice3A_161 = vector.extract_strided_slice %get3A_103 {offsets = [3], sizes = [1], strides = [1]} : vector<16xi32> to vector<1xi32>
        %squeeze3A_162 = vector.extract %slice3A_161[0] : i32 from vector<1xi32>
        %mul3A_163 = arith.constant 16 : i32
        %mul3A_164 = arith.muli %scan3A_99, %mul3A_163 : i32
        %add3A_165 = arith.constant 0 : i32
        %add3A_166 = arith.addi %add3A_165, %mul3A_164 : i32
        %add3A_167 = arith.constant 3 : i32
        %add3A_168 = arith.addi %add3A_166, %add3A_167 : i32
        %get3A_169 = arith.index_cast %squeeze3A_162 : i32 to index
        %get3A_170 = arith.constant 0 : index
        %get3A_171 = tpu.vector_load %arg9[%get3A_169, %get3A_170] {strides = array<i32>} : memref<100x32xf32, #tpu.memory_space<vmem>>, vector<16xf32>,
        %swap3A_172 = arith.index_cast %add3A_168 : i32 to index
        %swap3A_173 = arith.constant 0 : index
        %swap3A_174 = tpu.vector_load %arg11[%swap3A_172, %swap3A_173] {strides = array<i32>} : memref<512x32xf32, #tpu.memory_space<vmem>>, vector<16xf32>,
        tpu.vector_store %arg11[%swap3A_172, %swap3A_173], %get3A_171 {add = true, strides = array<i32>} : memref<512x32xf32, #tpu.memory_space<vmem>>, vector<16xf32>,
        %get3A_175 = arith.index_cast %squeeze3A_162 : i32 to index
        %get3A_176 = arith.constant 16 : index
        %get3A_177 = tpu.vector_load %arg9[%get3A_175, %get3A_176] {strides = array<i32>} : memref<100x32xf32, #tpu.memory_space<vmem>>, vector<16xf32>,
        %swap3A_178 = arith.index_cast %add3A_168 : i32 to index
        %swap3A_179 = arith.constant 16 : index
        %swap3A_180 = tpu.vector_load %arg11[%swap3A_178, %swap3A_179] {strides = array<i32>} : memref<512x32xf32, #tpu.memory_space<vmem>>, vector<16xf32>,
        tpu.vector_store %arg11[%swap3A_178, %swap3A_179], %get3A_177 {add = true, strides = array<i32>} : memref<512x32xf32, #tpu.memory_space<vmem>>, vector<16xf32>,
        %slice3A_181 = vector.extract_strided_slice %get3A_103 {offsets = [4], sizes = [1], strides = [1]} : vector<16xi32> to vector<1xi32>
        %squeeze3A_182 = vector.extract %slice3A_181[0] : i32 from vector<1xi32>
        %mul3A_183 = arith.constant 16 : i32
        %mul3A_184 = arith.muli %scan3A_99, %mul3A_183 : i32
        %add3A_185 = arith.constant 0 : i32
        %add3A_186 = arith.addi %add3A_185, %mul3A_184 : i32
        %add3A_187 = arith.constant 4 : i32
        %add3A_188 = arith.addi %add3A_186, %add3A_187 : i32
        %get3A_189 = arith.index_cast %squeeze3A_182 : i32 to index
        %get3A_190 = arith.constant 0 : index
        %get3A_191 = tpu.vector_load %arg9[%get3A_189, %get3A_190] {strides = array<i32>} : memref<100x32xf32, #tpu.memory_space<vmem>>, vector<16xf32>,
        %swap3A_192 = arith.index_cast %add3A_188 : i32 to index
        %swap3A_193 = arith.constant 0 : index
        %swap3A_194 = tpu.vector_load %arg11[%swap3A_192, %swap3A_193] {strides = array<i32>} : memref<512x32xf32, #tpu.memory_space<vmem>>, vector<16xf32>,
        tpu.vector_store %arg11[%swap3A_192, %swap3A_193], %get3A_191 {add = true, strides = array<i32>} : memref<512x32xf32, #tpu.memory_space<vmem>>, vector<16xf32>,
        %get3A_195 = arith.index_cast %squeeze3A_182 : i32 to index
        %get3A_196 = arith.constant 16 : index
        %get3A_197 = tpu.vector_load %arg9[%get3A_195, %get3A_196] {strides = array<i32>} : memref<100x32xf32, #tpu.memory_space<vmem>>, vector<16xf32>,
        %swap3A_198 = arith.index_cast %add3A_188 : i32 to index
        %swap3A_199 = arith.constant 16 : index
        %swap3A_200 = tpu.vector_load %arg11[%swap3A_198, %swap3A_199] {strides = array<i32>} : memref<512x32xf32, #tpu.memory_space<vmem>>, vector<16xf32>,
        tpu.vector_store %arg11[%swap3A_198, %swap3A_199], %get3A_197 {add = true, strides = array<i32>} : memref<512x32xf32, #tpu.memory_space<vmem>>, vector<16xf32>,
        %slice3A_201 = vector.extract_strided_slice %get3A_103 {offsets = [5], sizes = [1], strides = [1]} : vector<16xi32> to vector<1xi32>
        %squeeze3A_202 = vector.extract %slice3A_201[0] : i32 from vector<1xi32>
        %mul3A_203 = arith.constant 16 : i32
        %mul3A_204 = arith.muli %scan3A_99, %mul3A_203 : i32
        %add3A_205 = arith.constant 0 : i32
        %add3A_206 = arith.addi %add3A_205, %mul3A_204 : i32
        %add3A_207 = arith.constant 5 : i32
        %add3A_208 = arith.addi %add3A_206, %add3A_207 : i32
        %get3A_209 = arith.index_cast %squeeze3A_202 : i32 to index
        %get3A_210 = arith.constant 0 : index
        %get3A_211 = tpu.vector_load %arg9[%get3A_209, %get3A_210] {strides = array<i32>} : memref<100x32xf32, #tpu.memory_space<vmem>>, vector<16xf32>,
        %swap3A_212 = arith.index_cast %add3A_208 : i32 to index
        %swap3A_213 = arith.constant 0 : index
        %swap3A_214 = tpu.vector_load %arg11[%swap3A_212, %swap3A_213] {strides = array<i32>} : memref<512x32xf32, #tpu.memory_space<vmem>>, vector<16xf32>,
        tpu.vector_store %arg11[%swap3A_212, %swap3A_213], %get3A_211 {add = true, strides = array<i32>} : memref<512x32xf32, #tpu.memory_space<vmem>>, vector<16xf32>,
        %get3A_215 = arith.index_cast %squeeze3A_202 : i32 to index
        %get3A_216 = arith.constant 16 : index
        %get3A_217 = tpu.vector_load %arg9[%get3A_215, %get3A_216] {strides = array<i32>} : memref<100x32xf32, #tpu.memory_space<vmem>>, vector<16xf32>,
        %swap3A_218 = arith.index_cast %add3A_208 : i32 to index
        %swap3A_219 = arith.constant 16 : index
        %swap3A_220 = tpu.vector_load %arg11[%swap3A_218, %swap3A_219] {strides = array<i32>} : memref<512x32xf32, #tpu.memory_space<vmem>>, vector<16xf32>,
        tpu.vector_store %arg11[%swap3A_218, %swap3A_219], %get3A_217 {add = true, strides = array<i32>} : memref<512x32xf32, #tpu.memory_space<vmem>>, vector<16xf32>,
        %slice3A_221 = vector.extract_strided_slice %get3A_103 {offsets = [6], sizes = [1], strides = [1]} : vector<16xi32> to vector<1xi32>
        %squeeze3A_222 = vector.extract %slice3A_221[0] : i32 from vector<1xi32>
        %mul3A_223 = arith.constant 16 : i32
        %mul3A_224 = arith.muli %scan3A_99, %mul3A_223 : i32
        %add3A_225 = arith.constant 0 : i32
        %add3A_226 = arith.addi %add3A_225, %mul3A_224 : i32
        %add3A_227 = arith.constant 6 : i32
        %add3A_228 = arith.addi %add3A_226, %add3A_227 : i32
        %get3A_229 = arith.index_cast %squeeze3A_222 : i32 to index
        %get3A_230 = arith.constant 0 : index
        %get3A_231 = tpu.vector_load %arg9[%get3A_229, %get3A_230] {strides = array<i32>} : memref<100x32xf32, #tpu.memory_space<vmem>>, vector<16xf32>,
        %swap3A_232 = arith.index_cast %add3A_228 : i32 to index
        %swap3A_233 = arith.constant 0 : index
        %swap3A_234 = tpu.vector_load %arg11[%swap3A_232, %swap3A_233] {strides = array<i32>} : memref<512x32xf32, #tpu.memory_space<vmem>>, vector<16xf32>,
        tpu.vector_store %arg11[%swap3A_232, %swap3A_233], %get3A_231 {add = true, strides = array<i32>} : memref<512x32xf32, #tpu.memory_space<vmem>>, vector<16xf32>,
        %get3A_235 = arith.index_cast %squeeze3A_222 : i32 to index
        %get3A_236 = arith.constant 16 : index
        %get3A_237 = tpu.vector_load %arg9[%get3A_235, %get3A_236] {strides = array<i32>} : memref<100x32xf32, #tpu.memory_space<vmem>>, vector<16xf32>,
        %swap3A_238 = arith.index_cast %add3A_228 : i32 to index
        %swap3A_239 = arith.constant 16 : index
        %swap3A_240 = tpu.vector_load %arg11[%swap3A_238, %swap3A_239] {strides = array<i32>} : memref<512x32xf32, #tpu.memory_space<vmem>>, vector<16xf32>,
        tpu.vector_store %arg11[%swap3A_238, %swap3A_239], %get3A_237 {add = true, strides = array<i32>} : memref<512x32xf32, #tpu.memory_space<vmem>>, vector<16xf32>,
        %slice3A_241 = vector.extract_strided_slice %get3A_103 {offsets = [7], sizes = [1], strides = [1]} : vector<16xi32> to vector<1xi32>
        %squeeze3A_242 = vector.extract %slice3A_241[0] : i32 from vector<1xi32>
        %mul3A_243 = arith.constant 16 : i32
        %mul3A_244 = arith.muli %scan3A_99, %mul3A_243 : i32
        %add3A_245 = arith.constant 0 : i32
        %add3A_246 = arith.addi %add3A_245, %mul3A_244 : i32
        %add3A_247 = arith.constant 7 : i32
        %add3A_248 = arith.addi %add3A_246, %add3A_247 : i32
        %get3A_249 = arith.index_cast %squeeze3A_242 : i32 to index
        %get3A_250 = arith.constant 0 : index
        %get3A_251 = tpu.vector_load %arg9[%get3A_249, %get3A_250] {strides = array<i32>} : memref<100x32xf32, #tpu.memory_space<vmem>>, vector<16xf32>,
        %swap3A_252 = arith.index_cast %add3A_248 : i32 to index
        %swap3A_253 = arith.constant 0 : index
        %swap3A_254 = tpu.vector_load %arg11[%swap3A_252, %swap3A_253] {strides = array<i32>} : memref<512x32xf32, #tpu.memory_space<vmem>>, vector<16xf32>,
        tpu.vector_store %arg11[%swap3A_252, %swap3A_253], %get3A_251 {add = true, strides = array<i32>} : memref<512x32xf32, #tpu.memory_space<vmem>>, vector<16xf32>,
        %get3A_255 = arith.index_cast %squeeze3A_242 : i32 to index
        %get3A_256 = arith.constant 16 : index
        %get3A_257 = tpu.vector_load %arg9[%get3A_255, %get3A_256] {strides = array<i32>} : memref<100x32xf32, #tpu.memory_space<vmem>>, vector<16xf32>,
        %swap3A_258 = arith.index_cast %add3A_248 : i32 to index
        %swap3A_259 = arith.constant 16 : index
        %swap3A_260 = tpu.vector_load %arg11[%swap3A_258, %swap3A_259] {strides = array<i32>} : memref<512x32xf32, #tpu.memory_space<vmem>>, vector<16xf32>,
        tpu.vector_store %arg11[%swap3A_258, %swap3A_259], %get3A_257 {add = true, strides = array<i32>} : memref<512x32xf32, #tpu.memory_space<vmem>>, vector<16xf32>,
        %slice3A_261 = vector.extract_strided_slice %get3A_103 {offsets = [8], sizes = [1], strides = [1]} : vector<16xi32> to vector<1xi32>
        %squeeze3A_262 = vector.extract %slice3A_261[0] : i32 from vector<1xi32>
        %mul3A_263 = arith.constant 16 : i32
        %mul3A_264 = arith.muli %scan3A_99, %mul3A_263 : i32
        %add3A_265 = arith.constant 0 : i32
        %add3A_266 = arith.addi %add3A_265, %mul3A_264 : i32
        %add3A_267 = arith.constant 8 : i32
        %add3A_268 = arith.addi %add3A_266, %add3A_267 : i32
        %get3A_269 = arith.index_cast %squeeze3A_262 : i32 to index
        %get3A_270 = arith.constant 0 : index
        %get3A_271 = tpu.vector_load %arg9[%get3A_269, %get3A_270] {strides = array<i32>} : memref<100x32xf32, #tpu.memory_space<vmem>>, vector<16xf32>,
        %swap3A_272 = arith.index_cast %add3A_268 : i32 to index
        %swap3A_273 = arith.constant 0 : index
        %swap3A_274 = tpu.vector_load %arg11[%swap3A_272, %swap3A_273] {strides = array<i32>} : memref<512x32xf32, #tpu.memory_space<vmem>>, vector<16xf32>,
        tpu.vector_store %arg11[%swap3A_272, %swap3A_273], %get3A_271 {add = true, strides = array<i32>} : memref<512x32xf32, #tpu.memory_space<vmem>>, vector<16xf32>,
        %get3A_275 = arith.index_cast %squeeze3A_262 : i32 to index
        %get3A_276 = arith.constant 16 : index
        %get3A_277 = tpu.vector_load %arg9[%get3A_275, %get3A_276] {strides = array<i32>} : memref<100x32xf32, #tpu.memory_space<vmem>>, vector<16xf32>,
        %swap3A_278 = arith.index_cast %add3A_268 : i32 to index
        %swap3A_279 = arith.constant 16 : index
        %swap3A_280 = tpu.vector_load %arg11[%swap3A_278, %swap3A_279] {strides = array<i32>} : memref<512x32xf32, #tpu.memory_space<vmem>>, vector<16xf32>,
        tpu.vector_store %arg11[%swap3A_278, %swap3A_279], %get3A_277 {add = true, strides = array<i32>} : memref<512x32xf32, #tpu.memory_space<vmem>>, vector<16xf32>,
        %slice3A_281 = vector.extract_strided_slice %get3A_103 {offsets = [9], sizes = [1], strides = [1]} : vector<16xi32> to vector<1xi32>
        %squeeze3A_282 = vector.extract %slice3A_281[0] : i32 from vector<1xi32>
        %mul3A_283 = arith.constant 16 : i32
        %mul3A_284 = arith.muli %scan3A_99, %mul3A_283 : i32
        %add3A_285 = arith.constant 0 : i32
        %add3A_286 = arith.addi %add3A_285, %mul3A_284 : i32
        %add3A_287 = arith.constant 9 : i32
        %add3A_288 = arith.addi %add3A_286, %add3A_287 : i32
        %get3A_289 = arith.index_cast %squeeze3A_282 : i32 to index
        %get3A_290 = arith.constant 0 : index
        %get3A_291 = tpu.vector_load %arg9[%get3A_289, %get3A_290] {strides = array<i32>} : memref<100x32xf32, #tpu.memory_space<vmem>>, vector<16xf32>,
        %swap3A_292 = arith.index_cast %add3A_288 : i32 to index
        %swap3A_293 = arith.constant 0 : index
        %swap3A_294 = tpu.vector_load %arg11[%swap3A_292, %swap3A_293] {strides = array<i32>} : memref<512x32xf32, #tpu.memory_space<vmem>>, vector<16xf32>,
        tpu.vector_store %arg11[%swap3A_292, %swap3A_293], %get3A_291 {add = true, strides = array<i32>} : memref<512x32xf32, #tpu.memory_space<vmem>>, vector<16xf32>,
        %get3A_295 = arith.index_cast %squeeze3A_282 : i32 to index
        %get3A_296 = arith.constant 16 : index
        %get3A_297 = tpu.vector_load %arg9[%get3A_295, %get3A_296] {strides = array<i32>} : memref<100x32xf32, #tpu.memory_space<vmem>>, vector<16xf32>,
        %swap3A_298 = arith.index_cast %add3A_288 : i32 to index
        %swap3A_299 = arith.constant 16 : index
        %swap3A_300 = tpu.vector_load %arg11[%swap3A_298, %swap3A_299] {strides = array<i32>} : memref<512x32xf32, #tpu.memory_space<vmem>>, vector<16xf32>,
        tpu.vector_store %arg11[%swap3A_298, %swap3A_299], %get3A_297 {add = true, strides = array<i32>} : memref<512x32xf32, #tpu.memory_space<vmem>>, vector<16xf32>,
        %slice3A_301 = vector.extract_strided_slice %get3A_103 {offsets = [10], sizes = [1], strides = [1]} : vector<16xi32> to vector<1xi32>
        %squeeze3A_302 = vector.extract %slice3A_301[0] : i32 from vector<1xi32>
        %mul3A_303 = arith.constant 16 : i32
        %mul3A_304 = arith.muli %scan3A_99, %mul3A_303 : i32
        %add3A_305 = arith.constant 0 : i32
        %add3A_306 = arith.addi %add3A_305, %mul3A_304 : i32
        %add3A_307 = arith.constant 10 : i32
        %add3A_308 = arith.addi %add3A_306, %add3A_307 : i32
        %get3A_309 = arith.index_cast %squeeze3A_302 : i32 to index
        %get3A_310 = arith.constant 0 : index
        %get3A_311 = tpu.vector_load %arg9[%get3A_309, %get3A_310] {strides = array<i32>} : memref<100x32xf32, #tpu.memory_space<vmem>>, vector<16xf32>,
        %swap3A_312 = arith.index_cast %add3A_308 : i32 to index
        %swap3A_313 = arith.constant 0 : index
        %swap3A_314 = tpu.vector_load %arg11[%swap3A_312, %swap3A_313] {strides = array<i32>} : memref<512x32xf32, #tpu.memory_space<vmem>>, vector<16xf32>,
        tpu.vector_store %arg11[%swap3A_312, %swap3A_313], %get3A_311 {add = true, strides = array<i32>} : memref<512x32xf32, #tpu.memory_space<vmem>>, vector<16xf32>,
        %get3A_315 = arith.index_cast %squeeze3A_302 : i32 to index
        %get3A_316 = arith.constant 16 : index
        %get3A_317 = tpu.vector_load %arg9[%get3A_315, %get3A_316] {strides = array<i32>} : memref<100x32xf32, #tpu.memory_space<vmem>>, vector<16xf32>,
        %swap3A_318 = arith.index_cast %add3A_308 : i32 to index
        %swap3A_319 = arith.constant 16 : index
        %swap3A_320 = tpu.vector_load %arg11[%swap3A_318, %swap3A_319] {strides = array<i32>} : memref<512x32xf32, #tpu.memory_space<vmem>>, vector<16xf32>,
        tpu.vector_store %arg11[%swap3A_318, %swap3A_319], %get3A_317 {add = true, strides = array<i32>} : memref<512x32xf32, #tpu.memory_space<vmem>>, vector<16xf32>,
        %slice3A_321 = vector.extract_strided_slice %get3A_103 {offsets = [11], sizes = [1], strides = [1]} : vector<16xi32> to vector<1xi32>
        %squeeze3A_322 = vector.extract %slice3A_321[0] : i32 from vector<1xi32>
        %mul3A_323 = arith.constant 16 : i32
        %mul3A_324 = arith.muli %scan3A_99, %mul3A_323 : i32
        %add3A_325 = arith.constant 0 : i32
        %add3A_326 = arith.addi %add3A_325, %mul3A_324 : i32
        %add3A_327 = arith.constant 11 : i32
        %add3A_328 = arith.addi %add3A_326, %add3A_327 : i32
        %get3A_329 = arith.index_cast %squeeze3A_322 : i32 to index
        %get3A_330 = arith.constant 0 : index
        %get3A_331 = tpu.vector_load %arg9[%get3A_329, %get3A_330] {strides = array<i32>} : memref<100x32xf32, #tpu.memory_space<vmem>>, vector<16xf32>,
        %swap3A_332 = arith.index_cast %add3A_328 : i32 to index
        %swap3A_333 = arith.constant 0 : index
        %swap3A_334 = tpu.vector_load %arg11[%swap3A_332, %swap3A_333] {strides = array<i32>} : memref<512x32xf32, #tpu.memory_space<vmem>>, vector<16xf32>,
        tpu.vector_store %arg11[%swap3A_332, %swap3A_333], %get3A_331 {add = true, strides = array<i32>} : memref<512x32xf32, #tpu.memory_space<vmem>>, vector<16xf32>,
        %get3A_335 = arith.index_cast %squeeze3A_322 : i32 to index
        %get3A_336 = arith.constant 16 : index
        %get3A_337 = tpu.vector_load %arg9[%get3A_335, %get3A_336] {strides = array<i32>} : memref<100x32xf32, #tpu.memory_space<vmem>>, vector<16xf32>,
        %swap3A_338 = arith.index_cast %add3A_328 : i32 to index
        %swap3A_339 = arith.constant 16 : index
        %swap3A_340 = tpu.vector_load %arg11[%swap3A_338, %swap3A_339] {strides = array<i32>} : memref<512x32xf32, #tpu.memory_space<vmem>>, vector<16xf32>,
        tpu.vector_store %arg11[%swap3A_338, %swap3A_339], %get3A_337 {add = true, strides = array<i32>} : memref<512x32xf32, #tpu.memory_space<vmem>>, vector<16xf32>,
        %slice3A_341 = vector.extract_strided_slice %get3A_103 {offsets = [12], sizes = [1], strides = [1]} : vector<16xi32> to vector<1xi32>
        %squeeze3A_342 = vector.extract %slice3A_341[0] : i32 from vector<1xi32>
        %mul3A_343 = arith.constant 16 : i32
        %mul3A_344 = arith.muli %scan3A_99, %mul3A_343 : i32
        %add3A_345 = arith.constant 0 : i32
        %add3A_346 = arith.addi %add3A_345, %mul3A_344 : i32
        %add3A_347 = arith.constant 12 : i32
        %add3A_348 = arith.addi %add3A_346, %add3A_347 : i32
        %get3A_349 = arith.index_cast %squeeze3A_342 : i32 to index
        %get3A_350 = arith.constant 0 : index
        %get3A_351 = tpu.vector_load %arg9[%get3A_349, %get3A_350] {strides = array<i32>} : memref<100x32xf32, #tpu.memory_space<vmem>>, vector<16xf32>,
        %swap3A_352 = arith.index_cast %add3A_348 : i32 to index
        %swap3A_353 = arith.constant 0 : index
        %swap3A_354 = tpu.vector_load %arg11[%swap3A_352, %swap3A_353] {strides = array<i32>} : memref<512x32xf32, #tpu.memory_space<vmem>>, vector<16xf32>,
        tpu.vector_store %arg11[%swap3A_352, %swap3A_353], %get3A_351 {add = true, strides = array<i32>} : memref<512x32xf32, #tpu.memory_space<vmem>>, vector<16xf32>,
        %get3A_355 = arith.index_cast %squeeze3A_342 : i32 to index
        %get3A_356 = arith.constant 16 : index
        %get3A_357 = tpu.vector_load %arg9[%get3A_355, %get3A_356] {strides = array<i32>} : memref<100x32xf32, #tpu.memory_space<vmem>>, vector<16xf32>,
        %swap3A_358 = arith.index_cast %add3A_348 : i32 to index
        %swap3A_359 = arith.constant 16 : index
        %swap3A_360 = tpu.vector_load %arg11[%swap3A_358, %swap3A_359] {strides = array<i32>} : memref<512x32xf32, #tpu.memory_space<vmem>>, vector<16xf32>,
        tpu.vector_store %arg11[%swap3A_358, %swap3A_359], %get3A_357 {add = true, strides = array<i32>} : memref<512x32xf32, #tpu.memory_space<vmem>>, vector<16xf32>,
        %slice3A_361 = vector.extract_strided_slice %get3A_103 {offsets = [13], sizes = [1], strides = [1]} : vector<16xi32> to vector<1xi32>
        %squeeze3A_362 = vector.extract %slice3A_361[0] : i32 from vector<1xi32>
        %mul3A_363 = arith.constant 16 : i32
        %mul3A_364 = arith.muli %scan3A_99, %mul3A_363 : i32
        %add3A_365 = arith.constant 0 : i32
        %add3A_366 = arith.addi %add3A_365, %mul3A_364 : i32
        %add3A_367 = arith.constant 13 : i32
        %add3A_368 = arith.addi %add3A_366, %add3A_367 : i32
        %get3A_369 = arith.index_cast %squeeze3A_362 : i32 to index
        %get3A_370 = arith.constant 0 : index
        %get3A_371 = tpu.vector_load %arg9[%get3A_369, %get3A_370] {strides = array<i32>} : memref<100x32xf32, #tpu.memory_space<vmem>>, vector<16xf32>,
        %swap3A_372 = arith.index_cast %add3A_368 : i32 to index
        %swap3A_373 = arith.constant 0 : index
        %swap3A_374 = tpu.vector_load %arg11[%swap3A_372, %swap3A_373] {strides = array<i32>} : memref<512x32xf32, #tpu.memory_space<vmem>>, vector<16xf32>,
        tpu.vector_store %arg11[%swap3A_372, %swap3A_373], %get3A_371 {add = true, strides = array<i32>} : memref<512x32xf32, #tpu.memory_space<vmem>>, vector<16xf32>,
        %get3A_375 = arith.index_cast %squeeze3A_362 : i32 to index
        %get3A_376 = arith.constant 16 : index
        %get3A_377 = tpu.vector_load %arg9[%get3A_375, %get3A_376] {strides = array<i32>} : memref<100x32xf32, #tpu.memory_space<vmem>>, vector<16xf32>,
        %swap3A_378 = arith.index_cast %add3A_368 : i32 to index
        %swap3A_379 = arith.constant 16 : index
        %swap3A_380 = tpu.vector_load %arg11[%swap3A_378, %swap3A_379] {strides = array<i32>} : memref<512x32xf32, #tpu.memory_space<vmem>>, vector<16xf32>,
        tpu.vector_store %arg11[%swap3A_378, %swap3A_379], %get3A_377 {add = true, strides = array<i32>} : memref<512x32xf32, #tpu.memory_space<vmem>>, vector<16xf32>,
        %slice3A_381 = vector.extract_strided_slice %get3A_103 {offsets = [14], sizes = [1], strides = [1]} : vector<16xi32> to vector<1xi32>
        %squeeze3A_382 = vector.extract %slice3A_381[0] : i32 from vector<1xi32>
        %mul3A_383 = arith.constant 16 : i32
        %mul3A_384 = arith.muli %scan3A_99, %mul3A_383 : i32
        %add3A_385 = arith.constant 0 : i32
        %add3A_386 = arith.addi %add3A_385, %mul3A_384 : i32
        %add3A_387 = arith.constant 14 : i32
        %add3A_388 = arith.addi %add3A_386, %add3A_387 : i32
        %get3A_389 = arith.index_cast %squeeze3A_382 : i32 to index
        %get3A_390 = arith.constant 0 : index
        %get3A_391 = tpu.vector_load %arg9[%get3A_389, %get3A_390] {strides = array<i32>} : memref<100x32xf32, #tpu.memory_space<vmem>>, vector<16xf32>,
        %swap3A_392 = arith.index_cast %add3A_388 : i32 to index
        %swap3A_393 = arith.constant 0 : index
        %swap3A_394 = tpu.vector_load %arg11[%swap3A_392, %swap3A_393] {strides = array<i32>} : memref<512x32xf32, #tpu.memory_space<vmem>>, vector<16xf32>,
        tpu.vector_store %arg11[%swap3A_392, %swap3A_393], %get3A_391 {add = true, strides = array<i32>} : memref<512x32xf32, #tpu.memory_space<vmem>>, vector<16xf32>,
        %get3A_395 = arith.index_cast %squeeze3A_382 : i32 to index
        %get3A_396 = arith.constant 16 : index
        %get3A_397 = tpu.vector_load %arg9[%get3A_395, %get3A_396] {strides = array<i32>} : memref<100x32xf32, #tpu.memory_space<vmem>>, vector<16xf32>,
        %swap3A_398 = arith.index_cast %add3A_388 : i32 to index
        %swap3A_399 = arith.constant 16 : index
        %swap3A_400 = tpu.vector_load %arg11[%swap3A_398, %swap3A_399] {strides = array<i32>} : memref<512x32xf32, #tpu.memory_space<vmem>>, vector<16xf32>,
        tpu.vector_store %arg11[%swap3A_398, %swap3A_399], %get3A_397 {add = true, strides = array<i32>} : memref<512x32xf32, #tpu.memory_space<vmem>>, vector<16xf32>,
        %slice3A_401 = vector.extract_strided_slice %get3A_103 {offsets = [15], sizes = [1], strides = [1]} : vector<16xi32> to vector<1xi32>
        %squeeze3A_402 = vector.extract %slice3A_401[0] : i32 from vector<1xi32>
        %mul3A_403 = arith.constant 16 : i32
        %mul3A_404 = arith.muli %scan3A_99, %mul3A_403 : i32
        %add3A_405 = arith.constant 0 : i32
        %add3A_406 = arith.addi %add3A_405, %mul3A_404 : i32
        %add3A_407 = arith.constant 15 : i32
        %add3A_408 = arith.addi %add3A_406, %add3A_407 : i32
        %get3A_409 = arith.index_cast %squeeze3A_402 : i32 to index
        %get3A_410 = arith.constant 0 : index
        %get3A_411 = tpu.vector_load %arg9[%get3A_409, %get3A_410] {strides = array<i32>} : memref<100x32xf32, #tpu.memory_space<vmem>>, vector<16xf32>,
        %swap3A_412 = arith.index_cast %add3A_408 : i32 to index
        %swap3A_413 = arith.constant 0 : index
        %swap3A_414 = tpu.vector_load %arg11[%swap3A_412, %swap3A_413] {strides = array<i32>} : memref<512x32xf32, #tpu.memory_space<vmem>>, vector<16xf32>,
        tpu.vector_store %arg11[%swap3A_412, %swap3A_413], %get3A_411 {add = true, strides = array<i32>} : memref<512x32xf32, #tpu.memory_space<vmem>>, vector<16xf32>,
        %get3A_415 = arith.index_cast %squeeze3A_402 : i32 to index
        %get3A_416 = arith.constant 16 : index
        %get3A_417 = tpu.vector_load %arg9[%get3A_415, %get3A_416] {strides = array<i32>} : memref<100x32xf32, #tpu.memory_space<vmem>>, vector<16xf32>,
        %swap3A_418 = arith.index_cast %add3A_408 : i32 to index
        %swap3A_419 = arith.constant 16 : index
        %swap3A_420 = tpu.vector_load %arg11[%swap3A_418, %swap3A_419] {strides = array<i32>} : memref<512x32xf32, #tpu.memory_space<vmem>>, vector<16xf32>,
        tpu.vector_store %arg11[%swap3A_418, %swap3A_419], %get3A_417 {add = true, strides = array<i32>} : memref<512x32xf32, #tpu.memory_space<vmem>>, vector<16xf32>,
      }
      %scan3A_83 = arith.constant 32 : i32
      %mul3A_84 = arith.constant 512 : i32
      %mul3A_85 = arith.muli %add3A_14, %mul3A_84 : i32
      %add3A_86 = arith.addi %mul3A_4, %mul3A_85 : i32
      %dma_start3A_87 = arith.constant 0 : i32
      %dma_start3A_88 = tpu.memref_slice %arg6[%add3A_86, %dma_start3A_87] : memref<819200x32xf32, #tpu.memory_space<hbm>> -> memref<512x32xf32, #tpu.memory_space<hbm>>
      %dma_start3A_89 = arith.constant 0 : i32
      %dma_start3A_90 = tpu.memref_slice %arg6[%add3A_86, %dma_start3A_89] : memref<819200x32xf32, #tpu.memory_space<hbm>> -> memref<512x32xf32, #tpu.memory_space<hbm>>
      tpu.enqueue_dma source(%arg11 : memref<512x32xf32, #tpu.memory_space<vmem>>) target(%dma_start3A_90 : memref<512x32xf32, #tpu.memory_space<hbm>>) target_semaphore(%arg15 : memref<!tpu.dma_semaphore, #tpu.memory_space<semaphore_mem>>)
      %dma_wait3A_91 = arith.constant 0 : i32
      %dma_wait3A_92 = tpu.memref_slice %arg6[%add3A_60, %dma_wait3A_91] : memref<819200x32xf32, #tpu.memory_space<hbm>> -> memref<512x32xf32, #tpu.memory_space<hbm>>
      %dma_wait3A_93 = arith.constant 0 : i32
      %dma_wait3A_94 = tpu.memref_slice %arg6[%add3A_60, %dma_wait3A_93] : memref<819200x32xf32, #tpu.memory_space<hbm>> -> memref<512x32xf32, #tpu.memory_space<hbm>>
      tpu.wait_dma2 semaphore(%arg14 : memref<!tpu.dma_semaphore, #tpu.memory_space<semaphore_mem>>) src(%arg10 : memref<512x32xf32, #tpu.memory_space<vmem>>) dst(%dma_wait3A_94 : memref<512x32xf32, #tpu.memory_space<hbm>>)
      %dma_wait3A_95 = arith.constant 0 : i32
      %dma_wait3A_96 = tpu.memref_slice %arg6[%add3A_86, %dma_wait3A_95] : memref<819200x32xf32, #tpu.memory_space<hbm>> -> memref<512x32xf32, #tpu.memory_space<hbm>>
      %dma_wait3A_97 = arith.constant 0 : i32
      %dma_wait3A_98 = tpu.memref_slice %arg6[%add3A_86, %dma_wait3A_97] : memref<819200x32xf32, #tpu.memory_space<hbm>> -> memref<512x32xf32, #tpu.memory_space<hbm>>
      tpu.wait_dma2 semaphore(%arg15 : memref<!tpu.dma_semaphore, #tpu.memory_space<semaphore_mem>>) src(%arg11 : memref<512x32xf32, #tpu.memory_space<vmem>>) dst(%dma_wait3A_98 : memref<512x32xf32, #tpu.memory_space<hbm>>)
    }
    %scan3A_9 = arith.constant 25 : i32
    return
  }
}

</mosaic_0001>

<sc_bundles>
// kernel: kernel.3.cloned.1.call-start
scs
__scs_entry_jumppad:
0x0: {  	(pc) =	sbr.rel $0x88, $3  }
0x1: {  	(tag) =	ssettag $0x0;
	lr =	simm.s32 $0x1  }
0x2: {  	[smem:$0x3F9D] =	sst lr;
	_ =	strace $0xD0000000  }
0x3: {  	_ = 	snop  }
0x4: {  	_ = 	snop  }
0x5: {  	_ = 	snop  }
0x6: {  	_ = 	snop  }
0x7: {  	_ = 	snop  }
__scs_overlays_trampoline_lowered:
0x8: {  	[smem:$0x3FAC] =	sst s0  }
0x9: {  	[smem:$0x3FAD] =	sst s1  }
0xa: {  	[smem:$0x3FAE] =	sst s2  }
0xb: {  	[smem:$0x3FAF] =	sst s3  }
0xc: {  	[smem:$0x3FB0] =	sst s4  }
0xd: {  	[smem:$0x3FB1] =	sst s5  }
0xe: {  	[smem:$0x3FB2] =	sst s6  }
0xf: {  	[smem:$0x3FB3] =	sst s7  }
0x10: {  	[smem:$0x3FB4] =	sst s8  }
0x11: {  	[smem:$0x3FB5] =	sst s9;
	s0 =	simm.s32 @!p0 $0x0  }
0x12: {  	s1 =	sld [smem:$0x3F9B];
	s0 =	simm.s32 @p0 $0x1  }
0x13: {  	[smem:$0x3FB6] =	sst s0;
	s0 =	simm.s32 @!p1 $0x0  }
0x14: {  	s2 =	sld [smem:$0x3F9A];
	s0 =	simm.s32 @p1 $0x1  }
0x15: {  	[smem:$0x3FB7] =	sst s0;
	s0 =	simm.s32 @!p2 $0x0  }
0x16: {  	s3 =	sld [smem:$0x3FDB];
	s0 =	simm.s32 @p2 $0x1  }
0x17: {  	s4 =	simm.s32 $0x1BF5;
	[smem:$0x3FB9] =	sst s0  }
0x18: {  	s0 =	sld [smem:$0x3F9C];
	_ =	swait.ge [sflag:s4], $0x0  }
0x19: {  	s7 =	sld [smem:$0x3F9D]  }
0x1a: {  	s8 =	sadd.s32 $0xFFFFE003, lr  }
0x1b: {  	s9 =	sadd.s32 $0xFFFFFEF7, lr;
	s5 =	simm.s32 $0xFFFFFFFF;
	p2 =	slt.u32 s8, $0xFFFFF086  }
0x1c: {  	p1 =	slt.u32 s9, $0xF7A;
	s5 =	simm.s32 @!p2 $0x0  }
0x1d: {  	s5 =	simm.s32 @p1 $0x1;
	p0 =	seq.s32 s7, s2  }
0x1e: {  	s7 =	smul.u32 @!p0 $0xF7A, s2;
	p2 =	seq.s32 @!p0 s5, $0x0  }
0x1f: {  	s9 =	smul.u32 $0xF7A, s1;
	s8 =	simm.s32 @!p0 $0x1BF5;
	p2 =	por !p2, p0  }
0x20: {  	[sflag:s8] =	ssyncset.s32 @!p0 $0xFFFFF086;
	s6 =	sadd.s32 @!p0 s3, s7;
	s7 =	simm.s32 @!p0 $0x108  }
0x21: {  	s3 =	sadd.s32 s3, s9;
	s6 =	sadd.s32 @!p0 $0x88, s6;
	s7 =	simm.s32 @p2 $0x1082  }
0x22: {  	[simem:s7], [sflag:s8] =	dma.local @!p0 [hbm:s6], $0xF7A  }
0x23: {  	s9 =	sor.u32 $0xD0000000, s2;
	s6 =	simm.s32 $0x108;
	_ =	swait.ge @!p0 [sflag:s8], $0x0  }
0x24: {  	s3 =	sadd.s32 $0x88, s3;
	s6 =	simm.s32 @!p1 $0x1082;
	[sflag:s4] =	ssyncset.s32 $0xFFFFF086  }
0x25: {  	[simem:s6], [sflag:s4] =	dma.local [hbm:s3], $0xF7A  }
0x26: {  	[smem:$0x3F9D] =	sst s1;
	(tag) =	ssettag s2;
	_ =	strace s9  }
0x27: {  	s1 =	sld [smem:$0x3FAD]  }
0x28: {  	s2 =	sld [smem:$0x3FAE]  }
0x29: {  	s4 =	sld [smem:$0x3FB0]  }
0x2a: {  	p0 =	seq.s32 s5, $0x0;
	s5 =	sld [smem:$0x3FB1]  }
0x2b: {  	s6 =	sld [smem:$0x3FB2]  }
0x2c: {  	s7 =	sld [smem:$0x3FB3]  }
0x2d: {  	s3 =	simm.s32 $0x108;
	s8 =	sld [smem:$0x3FB4]  }
0x2e: {  	s3 =	simm.s32 @!p0 $0x1082;
	s9 =	sld [smem:$0x3FB5]  }
0x2f: {  	lr =	sadd.s32 s0, s3;
	s0 =	sld [smem:$0x3FAC]  }
0x30: {  	s3 =	sld [smem:$0x3FAF]  }
0x31: {  	[smem:$0x3FB8] =	sst s10  }
0x32: {  	s10 =	sld [smem:$0x3FB6];
	_ =	sdelay $0x3  }
0x33: {  	p0 =	seq.s32 s10, $0x1;
	s10 =	sld [smem:$0x3FB8];
	_ =	sdelay $0x3  }
0x34: {  	[smem:$0x3FB8] =	sst s10  }
0x35: {  	s10 =	sld [smem:$0x3FB7];
	_ =	sdelay $0x3  }
0x36: {  	p1 =	seq.s32 s10, $0x1;
	s10 =	sld [smem:$0x3FB8];
	_ =	sdelay $0x3  }
0x37: {  	[smem:$0x3FB8] =	sst s10  }
0x38: {  	s10 =	sld [smem:$0x3FB9]  }
0x39: {  	_ = 	snop;
	(pc) =	sbr.ind lr, $3  }
0x3a: {  	_ = 	snop  }
0x3b: {  	_ = 	snop  }
0x3c: {  	p2 =	seq.s32 s10, $0x1;
	s10 =	sld [smem:$0x3FB8]  }
0x3d: {  	_ =	shalt  }
0x3e: {  	_ =	shalt  }
0x3f: {  	_ =	shalt  }
0x40: {  	_ =	shalt  }
0x41: {  	_ =	shalt  }
0x42: {  	_ =	shalt  }
0x43: {  	_ =	shalt  }
0x44: {  	_ =	shalt  }
0x45: {  	_ =	shalt  }
0x46: {  	_ =	shalt  }
0x47: {  	_ =	shalt  }
0x48: {  	_ =	shalt  }
0x49: {  	_ =	shalt  }
0x4a: {  	_ =	shalt  }
0x4b: {  	_ =	shalt  }
0x4c: {  	_ =	shalt  }
0x4d: {  	_ =	shalt  }
0x4e: {  	_ =	shalt  }
0x4f: {  	_ =	shalt  }
0x50: {  	_ =	shalt  }
0x51: {  	_ =	shalt  }
0x52: {  	_ =	shalt  }
0x53: {  	_ =	shalt  }
0x54: {  	_ =	shalt  }
0x55: {  	_ =	shalt  }
0x56: {  	_ =	shalt  }
0x57: {  	_ =	shalt  }
0x58: {  	_ =	shalt  }
0x59: {  	_ =	shalt  }
0x5a: {  	_ =	shalt  }
0x5b: {  	_ =	shalt  }
0x5c: {  	_ =	shalt  }
0x5d: {  	_ =	shalt  }
0x5e: {  	_ =	shalt  }
0x5f: {  	_ =	shalt  }
0x60: {  	_ =	shalt  }
0x61: {  	_ =	shalt  }
0x62: {  	_ =	shalt  }
0x63: {  	_ =	shalt  }
0x64: {  	_ =	shalt  }
0x65: {  	_ =	shalt  }
0x66: {  	_ =	shalt  }
0x67: {  	_ =	shalt  }
0x68: {  	_ =	shalt  }
0x69: {  	_ =	shalt  }
0x6a: {  	_ =	shalt  }
0x6b: {  	_ =	shalt  }
0x6c: {  	_ =	shalt  }
0x6d: {  	_ =	shalt  }
0x6e: {  	_ =	shalt  }
0x6f: {  	_ =	shalt  }
0x70: {  	_ =	shalt  }
0x71: {  	_ =	shalt  }
0x72: {  	_ =	shalt  }
0x73: {  	_ =	shalt  }
0x74: {  	_ =	shalt  }
0x75: {  	_ =	shalt  }
0x76: {  	_ =	shalt  }
0x77: {  	_ =	shalt  }
0x78: {  	_ =	shalt  }
0x79: {  	_ =	shalt  }
0x7a: {  	_ =	shalt  }
0x7b: {  	_ =	shalt  }
0x7c: {  	_ =	shalt  }
0x7d: {  	_ =	shalt  }
0x7e: {  	_ =	shalt  }
0x7f: {  	_ =	shalt  }
0x80: {  	_ =	shalt  }
0x81: {  	_ =	shalt  }
0x82: {  	_ =	shalt  }
0x83: {  	_ =	shalt  }
0x84: {  	_ =	shalt  }
0x85: {  	_ =	shalt  }
0x86: {  	_ =	shalt  }
0x87: {  	_ =	shalt  }
.Lfunc_end0:
.L_simem_size_0:
called_computation.2_lowered:
.L_overlay_start_0:
0x88: {  	s2 =	sld [smem:$0x3FD9]  }
0x89: {  	s3 =	sld [smem:$0x3FFE];
	_ =	sdelay $0x1  }
0x8a: {  	s1 =	srdreg.scid  }
0x8b: {  	s0 =	sand.u32 $0x1, s1  }
0x8c: {  	s17 =	sshll.u32 s0, $0xA;
	s2 =	sadd.s32 s3, s2  }
0x8d: {  	s2 =	sadd.s32 s2, s17  }
0x8e: {  	[smem:$0x3FC4] =	sst s2  }
0x8f: {  	_ = 	snop  }
0x90: {  	s2 =	sld [smem:$0x3FD0];
	(tm) =	ssettm $0x1  }
0x91: {  	s18 =	sld [smem:$0x3FFB];
	_ =	sdelay $0x3  }
0x92: {  	_ =	strace s18  }
0x93: {  	s3 =	sld [smem:$0x3FFC];
	_ =	sdelay $0x3  }
0x94: {  	_ =	strace s3  }
0x95: {  	s3 =	sld [smem:$0x3FFD];
	_ =	sdelay $0x3  }
0x96: {  	_ =	strace s3  }
0x97: {  	_ =	strace $0x8FFFFFFF  }
0x98: {  	s19 =	sld [smem:$0x3FDB];
	_ =	sdelay $0x1  }
0x99: {  	s4 =	simm.s32 $_scs_section_size  }
0x9a: {  	s5 =	simm.s32 $_size__tile_overlayer_lowered;
	s6 =	simm.s32 $_tile_overlayer_lowered  }
0x9b: {  	s22 =	simm.s32 $0x1BFF;
	s21 =	sshll.u32 s6, $0x1;
	s3 =	sadd.s32 s4, s19  }
0x9c: {  	s7 =	simm.s32 $0x0;
	s20 =	sshll.u32 s5, $0x1;
	s5 =	sadd.s32 s21, s3  }
0x9d: {  	[timem:s7], [sflag:s22] =	dma.local [hbm:s5], s20  }
0x9e: {  	_ =	swait.ge [sflag:s22], s20  }
0x9f: {  	s4 =	ssub.s32 $0x0, s20;
	[sflag:s22] =	ssyncset.done $0x0  }
0xa0: {  	[sflag:s22] =	ssyncadd.s32 s4;
	_ =	sdelay $0x1  }
0xa1: {  	s23 =	simm.s32 $0x1B8B  }
0xa2: {  	_ =	swait.ge [sflag:s23], $0x1  }
0xa3: {  	[sflag:s23] =	ssyncset.done $0x0  }
0xa4: {  	s25 =	simm.s32 $0x1B8E;
	s24 =	sld [smem:$0x3FFE];
	[sflag:s23] =	ssyncadd.s32 $0xFFFFFFFF  }
0xa5: {  	s26 =	simm.s32 $execute0_lowered;
	[smem:$0x3FD2] =	sst s25  }
0xa6: {  	s5 =	sshll.u32 s26, $0x1;
	_ =	strace $0x80000046;
	[dreg:$0x1] =	wrdreg $0xFFFFFFFF  }
0xa7: {  	s28 =	simm.s32 $_size_execute0_lowered;
	s3 =	sadd.s32 s3, s5;
	[dreg:$0x0] =	wrdreg $0x0  }
0xa8: {  	s5 =	sshll.u32 s28, $0x1;
	[dreg:$0x2] =	wrdreg s3  }
0xa9: {  	[dreg:$0x3] =	wrdreg s5  }
0xaa: {  	[dreg:$0x4] =	wrdreg $0xC0  }
0xab: {  	_ =	task [dreg:s7], $0x5FFFF  }
0xac: {  	[dreg:$0x1] =	wrdreg $0xFFFFFFFF  }
0xad: {  	[dreg:$0x0] =	wrdreg $0x60  }
0xae: {  	[dreg:$0x2] =	wrdreg s24  }
0xaf: {  	[dreg:$0x3] =	wrdreg s2  }
0xb0: {  	[dreg:$0x4] =	wrdreg $0x9  }
0xb1: {  	_ =	task.clear_ibuf [dreg:s7], $0x5FFFF;
	_ =	strace $0x90000046  }
0xb2: {  	s29 =	simm.s32 $0x9;
	_ =	strace $0x80000048  }
0xb3: {  	_ =	swait.ge [sflag:s29], $0x1  }
0xb4: {  	[sflag:s29] =	ssyncadd.s32 $0xFFFFFFFF  }
0xb5: {  	_ =	strace $0x90000048  }
0xb6: {  	_ =	sfence  }
0xb7: {  	s30 =	sld [smem:$0x0];
	_ =	sdelay $0x2  }
0xb8: {  	s31 =	sshll.u32 s1, $0xD;
	s1 =	sshrl.u32 s1, $0x2  }
0xb9: {  	s3 =	sand.u32 $0x4000, s31;
	s1 =	sadd.s32 s1, s30  }
0xba: {  	s0 =	sor.u32 s3, s0;
	s1 =	sshll.u32 s1, $0x11  }
0xbb: {  	s0 =	sor.u32 s1, s0  }
0xbc: {  	s0 =	sadd.s32 $0x8F2B, s0  }
0xbd: {  	[sflag:s0] =	ssyncadd.remote.s32 $0x1  }
0xbe: {  	_ =	sfence.sel $0xFFFF  }
0xbf: {  	[dreg:$0x0] =	wrdreg $0xFFFFFFFF;
	(pc) =	sbr.abs _section_cstart, $3  }
0xc0: {  	[dreg:$0x1] =	wrdreg $0xFFFFFFFF  }
0xc1: {  	_ =	task.clear_ibuf [dreg:s7], $0x2FFFF;
	_ =	strace $0x9FFFFFFF  }
0xc2: {  	(tm) =	ssettm $0x7FFFFFFF  }
0xc3: {  	_ =	shalt  }
tec
execute0_lowered:
.L_overlay_start_1:
0x0: {  	(tag) =	ssettag $0x1  }
0x1: {  	s1 =	srdreg.scid  }
0x2: {  	s0 =	stileid.u32;
	s5 =	rddreg [dreg:$0x0]  }
0x3: {  	s2 =	rddreg [dreg:$0x1];
	s3 =	simm.s32 $0x0;
	s11 =	simm.s32 $0x5  }
0x4: {  	s12 =	simm.s32 $0xC800;
	s13 =	simm.s32 $0x200;
	s14 =	simm.s32 $0xD480  }
0x5: {  	s15 =	simm.s32 $0x11480;
	s16 =	simm.s32 $0x1;
	s17 =	simm.s32 $0x2  }
0x6: {  	s18 =	simm.s32 $0x3;
	s4 =	sand.u32 $0x1, s1;
	s30 =	sshll.u32 s0, $0x1  }
0x7: {  	s19 =	simm.s32 $0x4;
	s1 =	rddreg [dreg:$0x2];
	s9 =	sor.u32 s4, s30  }
0x8: {  	s20 =	simm.s32 $0x0;
	[smem:$0x7FF] =	sst s3;
	s6 =	smul.u32 $0xC80, s9  }
0x9: {  	s7 =	ssub.s32 $0x2, s4;
	_ =	strace $0x80000047;
	s4 =	sadd.s32 $0xF43600, s5  }
0xa: {  	s31 =	sshrl.u32 s7, $0x1;
	s8 =	sadd.s32 s6, s5;
	s6 =	smul.u32 $0x6400, s9  }
0xb: {  	s10 =	ssub.s32 s7, s31;
	s5 =	sadd.s32 $0x33200, s5;
	s9 =	smul.u32 $0xC8000, s9  }
0xc: {  	s10 =	smax.u32 s10, $0x1;
	s7 =	sadd.s32 $0x1A200, s8;
	s8 =	sadd.s32 $0x1200, s8  }
.LBB2_1:
0xd: {  	[tilespmem:s3], [sflag:$0x5] =	stream.linear.gather [hbm4b:s7+s3], $0x6400, $0x38;
	[tilespmem:$0x15480] =	vst v63  }
0xe: {  	_ =	swait.ge [sflag:s11], $0x6400  }
0xf: {  	[sflag:s11] =	ssyncset.done $0x0  }
0x10: {  	s21 =	simm.s32 $0x6400;
	[sflag:s11] =	ssyncadd.s32 $0xFFFF9C00  }
0x11: {  	[tilespmem:s21], [sflag:$0x5] =	stream.linear.gather [hbm4b:s8+s3], $0x6400, $0x38;
	[tilespmem:$0x15480] =	vst v63  }
0x12: {  	_ =	swait.ge [sflag:s11], $0x6400  }
0x13: {  	[sflag:s11] =	ssyncset.done $0x0  }
0x14: {  	[sflag:s11] =	ssyncadd.s32 $0xFFFF9C00  }
0x15: {  	[tilespmem:s12], [sflag:$0x5] =	stream.linear.gather [hbm4b:s5+s3], $0xC80, $0x38;
	[tilespmem:$0x15480] =	vst v63  }
0x16: {  	_ =	swait.ge [sflag:s11], $0xC80  }
0x17: {  	[sflag:s11] =	ssyncset.done $0x0  }
0x18: {  	s22 =	simm.s32 $0x6600;
	s23 =	simm.s32 $0x0;
	[sflag:s11] =	ssyncadd.s32 $0xFFFFF380  }
.LBB2_2:
0x19: {  	s24 =	sshll.u32 s23, $0xA  }
0x1a: {  	[tilespmem:s14], [sflag:$0x1] =	stream.indirect.gather [hbm4b:s4+s13], $0x20, s24, s13, $0xb8;
	[tilespmem:$0x15480] =	vst v63  }
0x1b: {  	s24 =	sor.u32 $0x200, s24  }
0x1c: {  	[tilespmem:s15], [sflag:$0x2] =	stream.indirect.gather [hbm4b:s4+s13], $0x20, s24, s13, $0xb8;
	[tilespmem:$0x15480] =	vst v63  }
0x1d: {  	_ =	swait.ge [sflag:s16], $0x4000  }
0x1e: {  	[sflag:s16] =	ssyncset.done $0x0  }
0x1f: {  	[sflag:s16] =	ssyncadd.s32 $0xFFFFC000  }
0x20: {  	v0 =	vld [tilespmem:s21+$0x0];
	_ =	sdelay $0x4  }
0x21: {  	v0 =	vshll.u32 v0, $0x7  }
0x22: {  	v0 =	vshra.s32 v0, $0x2  }
0x23: {  	(v2sf) =	vpush v0, $0x0;
	_ =	sdelay $0xb  }
0x24: {  	(v2sf) =	vpush v0, $0x1;
	_ =	sdelay $0x2  }
0x25: {  	s26 =	spop (v2sf)  }
0x26: {  	v1 =	vld [tilespmem:s26+$0xC800];
	_ =	sdelay $0x3  }
0x27: {  	s25 =	simm.s32 $0x0  }
0x28: {  	[tilespmem:s25+$0xD480] =	vst.add.f32.msk $0xffff, v1  }
0x29: {  	v1 =	vld [tilespmem:s26+$0xC810];
	_ =	sdelay $0x1  }
0x2a: {  	(v2sf) =	vpush v0, $0x2;
	_ =	sdelay $0x2  }
0x2b: {  	s30 =	spop (v2sf);
	[tilespmem:s25+$0xD490] =	vst.add.f32.msk $0xffff, v1  }
0x2c: {  	v1 =	vld [tilespmem:s30+$0xC800];
	_ =	sdelay $0x4  }
0x2d: {  	[tilespmem:s25+$0xD4A0] =	vst.add.f32.msk $0xffff, v1  }
0x2e: {  	v1 =	vld [tilespmem:s30+$0xC810];
	_ =	sdelay $0x1  }
0x2f: {  	(v2sf) =	vpush v0, $0x3;
	_ =	sdelay $0x2  }
0x30: {  	s31 =	spop (v2sf);
	[tilespmem:s25+$0xD4B0] =	vst.add.f32.msk $0xffff, v1  }
0x31: {  	v1 =	vld [tilespmem:s31+$0xC800];
	_ =	sdelay $0x4  }
0x32: {  	[tilespmem:s25+$0xD4C0] =	vst.add.f32.msk $0xffff, v1  }
0x33: {  	v1 =	vld [tilespmem:s31+$0xC810];
	_ =	sdelay $0x1  }
0x34: {  	(v2sf) =	vpush v0, $0x4;
	_ =	sdelay $0x2  }
0x35: {  	s29 =	spop (v2sf);
	[tilespmem:s25+$0xD4D0] =	vst.add.f32.msk $0xffff, v1  }
0x36: {  	v1 =	vld [tilespmem:s29+$0xC800];
	_ =	sdelay $0x4  }
0x37: {  	[tilespmem:s25+$0xD4E0] =	vst.add.f32.msk $0xffff, v1  }
0x38: {  	v1 =	vld [tilespmem:s29+$0xC810];
	_ =	sdelay $0x1  }
0x39: {  	(v2sf) =	vpush v0, $0x5;
	_ =	sdelay $0x2  }
0x3a: {  	s30 =	spop (v2sf);
	[tilespmem:s25+$0xD4F0] =	vst.add.f32.msk $0xffff, v1  }
0x3b: {  	v1 =	vld [tilespmem:s30+$0xC800];
	_ =	sdelay $0x4  }
0x3c: {  	[tilespmem:s25+$0xD500] =	vst.add.f32.msk $0xffff, v1  }
0x3d: {  	v1 =	vld [tilespmem:s30+$0xC810];
	_ =	sdelay $0x1  }
0x3e: {  	(v2sf) =	vpush v0, $0x6;
	_ =	sdelay $0x2  }
0x3f: {  	s31 =	spop (v2sf);
	[tilespmem:s25+$0xD510] =	vst.add.f32.msk $0xffff, v1  }
0x40: {  	v1 =	vld [tilespmem:s31+$0xC800];
	_ =	sdelay $0x4  }
0x41: {  	[tilespmem:s25+$0xD520] =	vst.add.f32.msk $0xffff, v1  }
0x42: {  	v1 =	vld [tilespmem:s31+$0xC810];
	_ =	sdelay $0x1  }
0x43: {  	(v2sf) =	vpush v0, $0x7;
	_ =	sdelay $0x2  }
0x44: {  	s29 =	spop (v2sf);
	[tilespmem:s25+$0xD530] =	vst.add.f32.msk $0xffff, v1  }
0x45: {  	v1 =	vld [tilespmem:s29+$0xC800];
	_ =	sdelay $0x4  }
0x46: {  	[tilespmem:s25+$0xD540] =	vst.add.f32.msk $0xffff, v1  }
0x47: {  	v1 =	vld [tilespmem:s29+$0xC810];
	_ =	sdelay $0x1  }
0x48: {  	(v2sf) =	vpush v0, $0x8;
	_ =	sdelay $0x2  }
0x49: {  	s30 =	spop (v2sf);
	[tilespmem:s25+$0xD550] =	vst.add.f32.msk $0xffff, v1  }
0x4a: {  	v1 =	vld [tilespmem:s30+$0xC800];
	_ =	sdelay $0x4  }
0x4b: {  	[tilespmem:s25+$0xD560] =	vst.add.f32.msk $0xffff, v1  }
0x4c: {  	v1 =	vld [tilespmem:s30+$0xC810];
	_ =	sdelay $0x1  }
0x4d: {  	(v2sf) =	vpush v0, $0x9;
	_ =	sdelay $0x2  }
0x4e: {  	s31 =	spop (v2sf);
	[tilespmem:s25+$0xD570] =	vst.add.f32.msk $0xffff, v1  }
0x4f: {  	v1 =	vld [tilespmem:s31+$0xC800];
	_ =	sdelay $0x4  }
0x50: {  	[tilespmem:s25+$0xD580] =	vst.add.f32.msk $0xffff, v1  }
0x51: {  	v1 =	vld [tilespmem:s31+$0xC810];
	_ =	sdelay $0x1  }
0x52: {  	(v2sf) =	vpush v0, $0xA;
	_ =	sdelay $0x2  }
0x53: {  	s29 =	spop (v2sf);
	[tilespmem:s25+$0xD590] =	vst.add.f32.msk $0xffff, v1  }
0x54: {  	v1 =	vld [tilespmem:s29+$0xC800];
	_ =	sdelay $0x4  }
0x55: {  	[tilespmem:s25+$0xD5A0] =	vst.add.f32.msk $0xffff, v1  }
0x56: {  	v1 =	vld [tilespmem:s29+$0xC810];
	_ =	sdelay $0x1  }
0x57: {  	(v2sf) =	vpush v0, $0xB;
	_ =	sdelay $0x2  }
0x58: {  	s30 =	spop (v2sf);
	[tilespmem:s25+$0xD5B0] =	vst.add.f32.msk $0xffff, v1  }
0x59: {  	v1 =	vld [tilespmem:s30+$0xC800];
	_ =	sdelay $0x4  }
0x5a: {  	[tilespmem:s25+$0xD5C0] =	vst.add.f32.msk $0xffff, v1  }
0x5b: {  	v1 =	vld [tilespmem:s30+$0xC810];
	_ =	sdelay $0x1  }
0x5c: {  	(v2sf) =	vpush v0, $0xC;
	_ =	sdelay $0x2  }
0x5d: {  	s31 =	spop (v2sf);
	[tilespmem:s25+$0xD5D0] =	vst.add.f32.msk $0xffff, v1  }
0x5e: {  	v1 =	vld [tilespmem:s31+$0xC800];
	_ =	sdelay $0x4  }
0x5f: {  	[tilespmem:s25+$0xD5E0] =	vst.add.f32.msk $0xffff, v1  }
0x60: {  	v1 =	vld [tilespmem:s31+$0xC810];
	_ =	sdelay $0x1  }
0x61: {  	(v2sf) =	vpush v0, $0xD;
	_ =	sdelay $0x2  }
0x62: {  	s29 =	spop (v2sf);
	[tilespmem:s25+$0xD5F0] =	vst.add.f32.msk $0xffff, v1  }
0x63: {  	v1 =	vld [tilespmem:s29+$0xC800];
	_ =	sdelay $0x4  }
0x64: {  	[tilespmem:s25+$0xD600] =	vst.add.f32.msk $0xffff, v1  }
0x65: {  	v1 =	vld [tilespmem:s29+$0xC810];
	_ =	sdelay $0x1  }
0x66: {  	(v2sf) =	vpush v0, $0xE;
	_ =	sdelay $0x2  }
0x67: {  	s30 =	spop (v2sf);
	[tilespmem:s25+$0xD610] =	vst.add.f32.msk $0xffff, v1  }
0x68: {  	v1 =	vld [tilespmem:s30+$0xC800];
	_ =	sdelay $0x4  }
0x69: {  	[tilespmem:s25+$0xD620] =	vst.add.f32.msk $0xffff, v1  }
0x6a: {  	v1 =	vld [tilespmem:s30+$0xC810];
	_ =	sdelay $0x1  }
0x6b: {  	(v2sf) =	vpush v0, $0xF;
	_ =	sdelay $0x2  }
0x6c: {  	s31 =	spop (v2sf);
	[tilespmem:s25+$0xD630] =	vst.add.f32.msk $0xffff, v1  }
0x6d: {  	v0 =	vld [tilespmem:s31+$0xC800];
	_ =	sdelay $0x4  }
0x6e: {  	[tilespmem:s25+$0xD640] =	vst.add.f32.msk $0xffff, v0  }
0x6f: {  	v0 =	vld [tilespmem:s31+$0xC810];
	_ =	sdelay $0x4  }
0x70: {  	s28 =	spop (v2sf);
	[tilespmem:s25+$0xD650] =	vst.add.f32.msk $0xffff, v0  }
0x71: {  	v0 =	vld [tilespmem:s28+$0xC800];
	_ =	sdelay $0x4  }
0x72: {  	[tilespmem:s25+$0xD660] =	vst.add.f32.msk $0xffff, v0  }
0x73: {  	s26 =	simm.s32 $0x800;
	v0 =	vld [tilespmem:s28+$0xC810];
	s28 =	smov.u32 s21  }
.LBB2_3:
0x74: {  	_ =	sdelay $0x2  }
0x75: {  	p0 =	sne.s32 s26, $0xF800  }
0x76: {  	s28 =	sadd.s32 $0x10, s28;
	[tilespmem:s25+$0xD670] =	vst.add.f32.msk $0xffff, v0;
	s25 =	smov.u32 s26;
	s26 =	sadd.s32 $0x800, s26  }
0x77: {  	v0 =	vld [tilespmem:s28+$0x0];
	_ =	sdelay $0x4  }
0x78: {  	v0 =	vshll.u32 v0, $0x7  }
0x79: {  	v0 =	vshra.s32 v0, $0x2  }
0x7a: {  	(v2sf) =	vpush v0, $0x0;
	_ =	sdelay $0xb  }
0x7b: {  	(v2sf) =	vpush v0, $0x1;
	_ =	sdelay $0x2  }
0x7c: {  	s29 =	spop (v2sf)  }
0x7d: {  	v1 =	vld [tilespmem:s29+$0xC800];
	_ =	sdelay $0x3  }
0x7e: {  	s25 =	sshra.s32 s25, $0x2  }
0x7f: {  	[tilespmem:s25+$0xD480] =	vst.add.f32.msk $0xffff, v1  }
0x80: {  	v1 =	vld [tilespmem:s29+$0xC810];
	_ =	sdelay $0x1  }
0x81: {  	(v2sf) =	vpush v0, $0x2;
	_ =	sdelay $0x2  }
0x82: {  	[tilespmem:s25+$0xD490] =	vst.add.f32.msk $0xffff, v1;
	s29 =	spop (v2sf)  }
0x83: {  	v1 =	vld [tilespmem:s29+$0xC800];
	_ =	sdelay $0x4  }
0x84: {  	[tilespmem:s25+$0xD4A0] =	vst.add.f32.msk $0xffff, v1  }
0x85: {  	v1 =	vld [tilespmem:s29+$0xC810];
	_ =	sdelay $0x1  }
0x86: {  	(v2sf) =	vpush v0, $0x3;
	_ =	sdelay $0x2  }
0x87: {  	[tilespmem:s25+$0xD4B0] =	vst.add.f32.msk $0xffff, v1;
	s29 =	spop (v2sf)  }
0x88: {  	v1 =	vld [tilespmem:s29+$0xC800];
	_ =	sdelay $0x4  }
0x89: {  	[tilespmem:s25+$0xD4C0] =	vst.add.f32.msk $0xffff, v1  }
0x8a: {  	v1 =	vld [tilespmem:s29+$0xC810];
	_ =	sdelay $0x1  }
0x8b: {  	(v2sf) =	vpush v0, $0x4;
	_ =	sdelay $0x2  }
0x8c: {  	[tilespmem:s25+$0xD4D0] =	vst.add.f32.msk $0xffff, v1;
	s29 =	spop (v2sf)  }
0x8d: {  	v1 =	vld [tilespmem:s29+$0xC800];
	_ =	sdelay $0x4  }
0x8e: {  	[tilespmem:s25+$0xD4E0] =	vst.add.f32.msk $0xffff, v1  }
0x8f: {  	v1 =	vld [tilespmem:s29+$0xC810];
	_ =	sdelay $0x1  }
0x90: {  	(v2sf) =	vpush v0, $0x5;
	_ =	sdelay $0x2  }
0x91: {  	[tilespmem:s25+$0xD4F0] =	vst.add.f32.msk $0xffff, v1;
	s29 =	spop (v2sf)  }
0x92: {  	v1 =	vld [tilespmem:s29+$0xC800];
	_ =	sdelay $0x4  }
0x93: {  	[tilespmem:s25+$0xD500] =	vst.add.f32.msk $0xffff, v1  }
0x94: {  	v1 =	vld [tilespmem:s29+$0xC810];
	_ =	sdelay $0x1  }
0x95: {  	(v2sf) =	vpush v0, $0x6;
	_ =	sdelay $0x2  }
0x96: {  	[tilespmem:s25+$0xD510] =	vst.add.f32.msk $0xffff, v1;
	s29 =	spop (v2sf)  }
0x97: {  	v1 =	vld [tilespmem:s29+$0xC800];
	_ =	sdelay $0x4  }
0x98: {  	[tilespmem:s25+$0xD520] =	vst.add.f32.msk $0xffff, v1  }
0x99: {  	v1 =	vld [tilespmem:s29+$0xC810];
	_ =	sdelay $0x1  }
0x9a: {  	(v2sf) =	vpush v0, $0x7;
	_ =	sdelay $0x2  }
0x9b: {  	[tilespmem:s25+$0xD530] =	vst.add.f32.msk $0xffff, v1;
	s29 =	spop (v2sf)  }
0x9c: {  	v1 =	vld [tilespmem:s29+$0xC800];
	_ =	sdelay $0x4  }
0x9d: {  	[tilespmem:s25+$0xD540] =	vst.add.f32.msk $0xffff, v1  }
0x9e: {  	v1 =	vld [tilespmem:s29+$0xC810];
	_ =	sdelay $0x1  }
0x9f: {  	(v2sf) =	vpush v0, $0x8;
	_ =	sdelay $0x2  }
0xa0: {  	[tilespmem:s25+$0xD550] =	vst.add.f32.msk $0xffff, v1;
	s29 =	spop (v2sf)  }
0xa1: {  	v1 =	vld [tilespmem:s29+$0xC800];
	_ =	sdelay $0x4  }
0xa2: {  	[tilespmem:s25+$0xD560] =	vst.add.f32.msk $0xffff, v1  }
0xa3: {  	v1 =	vld [tilespmem:s29+$0xC810];
	_ =	sdelay $0x1  }
0xa4: {  	(v2sf) =	vpush v0, $0x9;
	_ =	sdelay $0x2  }
0xa5: {  	[tilespmem:s25+$0xD570] =	vst.add.f32.msk $0xffff, v1;
	s29 =	spop (v2sf)  }
0xa6: {  	v1 =	vld [tilespmem:s29+$0xC800];
	_ =	sdelay $0x4  }
0xa7: {  	[tilespmem:s25+$0xD580] =	vst.add.f32.msk $0xffff, v1  }
0xa8: {  	v1 =	vld [tilespmem:s29+$0xC810];
	_ =	sdelay $0x1  }
0xa9: {  	(v2sf) =	vpush v0, $0xA;
	_ =	sdelay $0x2  }
0xaa: {  	[tilespmem:s25+$0xD590] =	vst.add.f32.msk $0xffff, v1;
	s29 =	spop (v2sf)  }
0xab: {  	v1 =	vld [tilespmem:s29+$0xC800];
	_ =	sdelay $0x4  }
0xac: {  	[tilespmem:s25+$0xD5A0] =	vst.add.f32.msk $0xffff, v1  }
0xad: {  	v1 =	vld [tilespmem:s29+$0xC810];
	_ =	sdelay $0x1  }
0xae: {  	(v2sf) =	vpush v0, $0xB;
	_ =	sdelay $0x2  }
0xaf: {  	[tilespmem:s25+$0xD5B0] =	vst.add.f32.msk $0xffff, v1;
	s29 =	spop (v2sf)  }
0xb0: {  	v1 =	vld [tilespmem:s29+$0xC800];
	_ =	sdelay $0x4  }
0xb1: {  	[tilespmem:s25+$0xD5C0] =	vst.add.f32.msk $0xffff, v1  }
0xb2: {  	v1 =	vld [tilespmem:s29+$0xC810];
	_ =	sdelay $0x1  }
0xb3: {  	(v2sf) =	vpush v0, $0xC;
	_ =	sdelay $0x2  }
0xb4: {  	[tilespmem:s25+$0xD5D0] =	vst.add.f32.msk $0xffff, v1;
	s29 =	spop (v2sf)  }
0xb5: {  	v1 =	vld [tilespmem:s29+$0xC800];
	_ =	sdelay $0x4  }
0xb6: {  	[tilespmem:s25+$0xD5E0] =	vst.add.f32.msk $0xffff, v1  }
0xb7: {  	v1 =	vld [tilespmem:s29+$0xC810];
	_ =	sdelay $0x1  }
0xb8: {  	(v2sf) =	vpush v0, $0xD;
	_ =	sdelay $0x2  }
0xb9: {  	[tilespmem:s25+$0xD5F0] =	vst.add.f32.msk $0xffff, v1;
	s29 =	spop (v2sf)  }
0xba: {  	v1 =	vld [tilespmem:s29+$0xC800];
	_ =	sdelay $0x4  }
0xbb: {  	[tilespmem:s25+$0xD600] =	vst.add.f32.msk $0xffff, v1  }
0xbc: {  	v1 =	vld [tilespmem:s29+$0xC810];
	_ =	sdelay $0x1  }
0xbd: {  	(v2sf) =	vpush v0, $0xE;
	_ =	sdelay $0x2  }
0xbe: {  	[tilespmem:s25+$0xD610] =	vst.add.f32.msk $0xffff, v1;
	s29 =	spop (v2sf)  }
0xbf: {  	v1 =	vld [tilespmem:s29+$0xC800];
	_ =	sdelay $0x4  }
0xc0: {  	[tilespmem:s25+$0xD620] =	vst.add.f32.msk $0xffff, v1  }
0xc1: {  	v1 =	vld [tilespmem:s29+$0xC810];
	_ =	sdelay $0x1  }
0xc2: {  	(v2sf) =	vpush v0, $0xF;
	_ =	sdelay $0x2  }
0xc3: {  	[tilespmem:s25+$0xD630] =	vst.add.f32.msk $0xffff, v1;
	s29 =	spop (v2sf)  }
0xc4: {  	v0 =	vld [tilespmem:s29+$0xC800];
	_ =	sdelay $0x4  }
0xc5: {  	[tilespmem:s25+$0xD640] =	vst.add.f32.msk $0xffff, v0  }
0xc6: {  	v0 =	vld [tilespmem:s29+$0xC810];
	_ =	sdelay $0x4  }
0xc7: {  	[tilespmem:s25+$0xD650] =	vst.add.f32.msk $0xffff, v0;
	s29 =	spop (v2sf)  }
0xc8: {  	v0 =	vld [tilespmem:s29+$0xC800];
	_ =	sdelay $0x1  }
.Ltmp0:
0xc9: {  	(pc) =	sbr.rel @p0 .LBB2_3-.Ltmp0, $3  }
0xca: {  	_ =	sdelay $0x1  }
0xcb: {  	[tilespmem:s25+$0xD660] =	vst.add.f32.msk $0xffff, v0  }
0xcc: {  	v0 =	vld [tilespmem:s29+$0xC810]  }
0xcd: {  	_ = 	snop  }
0xce: {  	s26 =	sshll.u32 s23, $0xF  }
0xcf: {  	s26 =	sadd.s32 s9, s26  }
0xd0: {  	s26 =	sshrl.u32 s26, $0x3  }
0xd1: {  	s31 =	simm.s32 $0x0;
	s30 =	sadd.s32 s2, s26;
	[tilespmem:s25+$0xD670] =	vst.add.f32.msk $0xffff, v0  }
0xd2: {  	[hbm4b:s30+s31] =	stream.linear.scatter [tilespmem:s14], [sflag:$0x3], $0x4000, $0x38;
	[tilespmem:$0x15480] =	vst v63  }
0xd3: {  	_ =	swait.ge [sflag:s17], $0x4000  }
0xd4: {  	[sflag:s17] =	ssyncset.done $0x0  }
0xd5: {  	[sflag:s17] =	ssyncadd.s32 $0xFFFFC000  }
0xd6: {  	v0 =	vld [tilespmem:s22+$0x0];
	_ =	sdelay $0x4  }
0xd7: {  	v0 =	vshll.u32 v0, $0x7  }
0xd8: {  	v0 =	vshra.s32 v0, $0x2  }
0xd9: {  	(v2sf) =	vpush v0, $0x0;
	_ =	sdelay $0xb  }
0xda: {  	(v2sf) =	vpush v0, $0x1;
	_ =	sdelay $0x2  }
0xdb: {  	s29 =	spop (v2sf)  }
0xdc: {  	v1 =	vld [tilespmem:s29+$0xC800];
	_ =	sdelay $0x3  }
0xdd: {  	s25 =	simm.s32 $0x0  }
0xde: {  	[tilespmem:s25+$0x11480] =	vst.add.f32.msk $0xffff, v1  }
0xdf: {  	v1 =	vld [tilespmem:s29+$0xC810];
	_ =	sdelay $0x1  }
0xe0: {  	(v2sf) =	vpush v0, $0x2;
	_ =	sdelay $0x2  }
0xe1: {  	s30 =	spop (v2sf);
	[tilespmem:s25+$0x11490] =	vst.add.f32.msk $0xffff, v1  }
0xe2: {  	v1 =	vld [tilespmem:s30+$0xC800];
	_ =	sdelay $0x4  }
0xe3: {  	[tilespmem:s25+$0x114A0] =	vst.add.f32.msk $0xffff, v1  }
0xe4: {  	v1 =	vld [tilespmem:s30+$0xC810];
	_ =	sdelay $0x1  }
0xe5: {  	(v2sf) =	vpush v0, $0x3;
	_ =	sdelay $0x2  }
0xe6: {  	s31 =	spop (v2sf);
	[tilespmem:s25+$0x114B0] =	vst.add.f32.msk $0xffff, v1  }
0xe7: {  	v1 =	vld [tilespmem:s31+$0xC800];
	_ =	sdelay $0x4  }
0xe8: {  	[tilespmem:s25+$0x114C0] =	vst.add.f32.msk $0xffff, v1  }
0xe9: {  	v1 =	vld [tilespmem:s31+$0xC810];
	_ =	sdelay $0x1  }
0xea: {  	(v2sf) =	vpush v0, $0x4;
	_ =	sdelay $0x2  }
0xeb: {  	s29 =	spop (v2sf);
	[tilespmem:s25+$0x114D0] =	vst.add.f32.msk $0xffff, v1  }
0xec: {  	v1 =	vld [tilespmem:s29+$0xC800];
	_ =	sdelay $0x4  }
0xed: {  	[tilespmem:s25+$0x114E0] =	vst.add.f32.msk $0xffff, v1  }
0xee: {  	v1 =	vld [tilespmem:s29+$0xC810];
	_ =	sdelay $0x1  }
0xef: {  	(v2sf) =	vpush v0, $0x5;
	_ =	sdelay $0x2  }
0xf0: {  	s30 =	spop (v2sf);
	[tilespmem:s25+$0x114F0] =	vst.add.f32.msk $0xffff, v1  }
0xf1: {  	v1 =	vld [tilespmem:s30+$0xC800];
	_ =	sdelay $0x4  }
0xf2: {  	[tilespmem:s25+$0x11500] =	vst.add.f32.msk $0xffff, v1  }
0xf3: {  	v1 =	vld [tilespmem:s30+$0xC810];
	_ =	sdelay $0x1  }
0xf4: {  	(v2sf) =	vpush v0, $0x6;
	_ =	sdelay $0x2  }
0xf5: {  	s31 =	spop (v2sf);
	[tilespmem:s25+$0x11510] =	vst.add.f32.msk $0xffff, v1  }
0xf6: {  	v1 =	vld [tilespmem:s31+$0xC800];
	_ =	sdelay $0x4  }
0xf7: {  	[tilespmem:s25+$0x11520] =	vst.add.f32.msk $0xffff, v1  }
0xf8: {  	v1 =	vld [tilespmem:s31+$0xC810];
	_ =	sdelay $0x1  }
0xf9: {  	(v2sf) =	vpush v0, $0x7;
	_ =	sdelay $0x2  }
0xfa: {  	s29 =	spop (v2sf);
	[tilespmem:s25+$0x11530] =	vst.add.f32.msk $0xffff, v1  }
0xfb: {  	v1 =	vld [tilespmem:s29+$0xC800];
	_ =	sdelay $0x4  }
0xfc: {  	[tilespmem:s25+$0x11540] =	vst.add.f32.msk $0xffff, v1  }
0xfd: {  	v1 =	vld [tilespmem:s29+$0xC810];
	_ =	sdelay $0x1  }
0xfe: {  	(v2sf) =	vpush v0, $0x8;
	_ =	sdelay $0x2  }
0xff: {  	s30 =	spop (v2sf);
	[tilespmem:s25+$0x11550] =	vst.add.f32.msk $0xffff, v1  }
0x100: {  	v1 =	vld [tilespmem:s30+$0xC800];
	_ =	sdelay $0x4  }
0x101: {  	[tilespmem:s25+$0x11560] =	vst.add.f32.msk $0xffff, v1  }
0x102: {  	v1 =	vld [tilespmem:s30+$0xC810];
	_ =	sdelay $0x1  }
0x103: {  	(v2sf) =	vpush v0, $0x9;
	_ =	sdelay $0x2  }
0x104: {  	s31 =	spop (v2sf);
	[tilespmem:s25+$0x11570] =	vst.add.f32.msk $0xffff, v1  }
0x105: {  	v1 =	vld [tilespmem:s31+$0xC800];
	_ =	sdelay $0x4  }
0x106: {  	[tilespmem:s25+$0x11580] =	vst.add.f32.msk $0xffff, v1  }
0x107: {  	v1 =	vld [tilespmem:s31+$0xC810];
	_ =	sdelay $0x1  }
0x108: {  	(v2sf) =	vpush v0, $0xA;
	_ =	sdelay $0x2  }
0x109: {  	s29 =	spop (v2sf);
	[tilespmem:s25+$0x11590] =	vst.add.f32.msk $0xffff, v1  }
0x10a: {  	v1 =	vld [tilespmem:s29+$0xC800];
	_ =	sdelay $0x4  }
0x10b: {  	[tilespmem:s25+$0x115A0] =	vst.add.f32.msk $0xffff, v1  }
0x10c: {  	v1 =	vld [tilespmem:s29+$0xC810];
	_ =	sdelay $0x1  }
0x10d: {  	(v2sf) =	vpush v0, $0xB;
	_ =	sdelay $0x2  }
0x10e: {  	s30 =	spop (v2sf);
	[tilespmem:s25+$0x115B0] =	vst.add.f32.msk $0xffff, v1  }
0x10f: {  	v1 =	vld [tilespmem:s30+$0xC800];
	_ =	sdelay $0x4  }
0x110: {  	[tilespmem:s25+$0x115C0] =	vst.add.f32.msk $0xffff, v1  }
0x111: {  	v1 =	vld [tilespmem:s30+$0xC810];
	_ =	sdelay $0x1  }
0x112: {  	(v2sf) =	vpush v0, $0xC;
	_ =	sdelay $0x2  }
0x113: {  	s31 =	spop (v2sf);
	[tilespmem:s25+$0x115D0] =	vst.add.f32.msk $0xffff, v1  }
0x114: {  	v1 =	vld [tilespmem:s31+$0xC800];
	_ =	sdelay $0x4  }
0x115: {  	[tilespmem:s25+$0x115E0] =	vst.add.f32.msk $0xffff, v1  }
0x116: {  	v1 =	vld [tilespmem:s31+$0xC810];
	_ =	sdelay $0x1  }
0x117: {  	(v2sf) =	vpush v0, $0xD;
	_ =	sdelay $0x2  }
0x118: {  	s29 =	spop (v2sf);
	[tilespmem:s25+$0x115F0] =	vst.add.f32.msk $0xffff, v1  }
0x119: {  	v1 =	vld [tilespmem:s29+$0xC800];
	_ =	sdelay $0x4  }
0x11a: {  	[tilespmem:s25+$0x11600] =	vst.add.f32.msk $0xffff, v1  }
0x11b: {  	v1 =	vld [tilespmem:s29+$0xC810];
	_ =	sdelay $0x1  }
0x11c: {  	(v2sf) =	vpush v0, $0xE;
	_ =	sdelay $0x2  }
0x11d: {  	s30 =	spop (v2sf);
	[tilespmem:s25+$0x11610] =	vst.add.f32.msk $0xffff, v1  }
0x11e: {  	v1 =	vld [tilespmem:s30+$0xC800];
	_ =	sdelay $0x4  }
0x11f: {  	[tilespmem:s25+$0x11620] =	vst.add.f32.msk $0xffff, v1  }
0x120: {  	v1 =	vld [tilespmem:s30+$0xC810];
	_ =	sdelay $0x1  }
0x121: {  	(v2sf) =	vpush v0, $0xF;
	_ =	sdelay $0x2  }
0x122: {  	s31 =	spop (v2sf);
	[tilespmem:s25+$0x11630] =	vst.add.f32.msk $0xffff, v1  }
0x123: {  	v0 =	vld [tilespmem:s31+$0xC800];
	_ =	sdelay $0x4  }
0x124: {  	[tilespmem:s25+$0x11640] =	vst.add.f32.msk $0xffff, v0  }
0x125: {  	v0 =	vld [tilespmem:s31+$0xC810];
	_ =	sdelay $0x4  }
0x126: {  	s28 =	spop (v2sf);
	[tilespmem:s25+$0x11650] =	vst.add.f32.msk $0xffff, v0  }
0x127: {  	v0 =	vld [tilespmem:s28+$0xC800];
	_ =	sdelay $0x4  }
0x128: {  	[tilespmem:s25+$0x11660] =	vst.add.f32.msk $0xffff, v0  }
0x129: {  	s26 =	simm.s32 $0x800;
	v0 =	vld [tilespmem:s28+$0xC810];
	s28 =	smov.u32 s22  }
.LBB2_5:
0x12a: {  	_ =	sdelay $0x2  }
0x12b: {  	p0 =	sne.s32 s26, $0xF800  }
0x12c: {  	s28 =	sadd.s32 $0x10, s28;
	[tilespmem:s25+$0x11670] =	vst.add.f32.msk $0xffff, v0;
	s25 =	smov.u32 s26;
	s26 =	sadd.s32 $0x800, s26  }
0x12d: {  	v0 =	vld [tilespmem:s28+$0x0];
	_ =	sdelay $0x4  }
0x12e: {  	v0 =	vshll.u32 v0, $0x7  }
0x12f: {  	v0 =	vshra.s32 v0, $0x2  }
0x130: {  	(v2sf) =	vpush v0, $0x0;
	_ =	sdelay $0xb  }
0x131: {  	(v2sf) =	vpush v0, $0x1;
	_ =	sdelay $0x2  }
0x132: {  	s29 =	spop (v2sf)  }
0x133: {  	v1 =	vld [tilespmem:s29+$0xC800];
	_ =	sdelay $0x3  }
0x134: {  	s25 =	sshra.s32 s25, $0x2  }
0x135: {  	[tilespmem:s25+$0x11480] =	vst.add.f32.msk $0xffff, v1  }
0x136: {  	v1 =	vld [tilespmem:s29+$0xC810];
	_ =	sdelay $0x1  }
0x137: {  	(v2sf) =	vpush v0, $0x2;
	_ =	sdelay $0x2  }
0x138: {  	[tilespmem:s25+$0x11490] =	vst.add.f32.msk $0xffff, v1;
	s29 =	spop (v2sf)  }
0x139: {  	v1 =	vld [tilespmem:s29+$0xC800];
	_ =	sdelay $0x4  }
0x13a: {  	[tilespmem:s25+$0x114A0] =	vst.add.f32.msk $0xffff, v1  }
0x13b: {  	v1 =	vld [tilespmem:s29+$0xC810];
	_ =	sdelay $0x1  }
0x13c: {  	(v2sf) =	vpush v0, $0x3;
	_ =	sdelay $0x2  }
0x13d: {  	[tilespmem:s25+$0x114B0] =	vst.add.f32.msk $0xffff, v1;
	s29 =	spop (v2sf)  }
0x13e: {  	v1 =	vld [tilespmem:s29+$0xC800];
	_ =	sdelay $0x4  }
0x13f: {  	[tilespmem:s25+$0x114C0] =	vst.add.f32.msk $0xffff, v1  }
0x140: {  	v1 =	vld [tilespmem:s29+$0xC810];
	_ =	sdelay $0x1  }
0x141: {  	(v2sf) =	vpush v0, $0x4;
	_ =	sdelay $0x2  }
0x142: {  	[tilespmem:s25+$0x114D0] =	vst.add.f32.msk $0xffff, v1;
	s29 =	spop (v2sf)  }
0x143: {  	v1 =	vld [tilespmem:s29+$0xC800];
	_ =	sdelay $0x4  }
0x144: {  	[tilespmem:s25+$0x114E0] =	vst.add.f32.msk $0xffff, v1  }
0x145: {  	v1 =	vld [tilespmem:s29+$0xC810];
	_ =	sdelay $0x1  }
0x146: {  	(v2sf) =	vpush v0, $0x5;
	_ =	sdelay $0x2  }
0x147: {  	[tilespmem:s25+$0x114F0] =	vst.add.f32.msk $0xffff, v1;
	s29 =	spop (v2sf)  }
0x148: {  	v1 =	vld [tilespmem:s29+$0xC800];
	_ =	sdelay $0x4  }
0x149: {  	[tilespmem:s25+$0x11500] =	vst.add.f32.msk $0xffff, v1  }
0x14a: {  	v1 =	vld [tilespmem:s29+$0xC810];
	_ =	sdelay $0x1  }
0x14b: {  	(v2sf) =	vpush v0, $0x6;
	_ =	sdelay $0x2  }
0x14c: {  	[tilespmem:s25+$0x11510] =	vst.add.f32.msk $0xffff, v1;
	s29 =	spop (v2sf)  }
0x14d: {  	v1 =	vld [tilespmem:s29+$0xC800];
	_ =	sdelay $0x4  }
0x14e: {  	[tilespmem:s25+$0x11520] =	vst.add.f32.msk $0xffff, v1  }
0x14f: {  	v1 =	vld [tilespmem:s29+$0xC810];
	_ =	sdelay $0x1  }
0x150: {  	(v2sf) =	vpush v0, $0x7;
	_ =	sdelay $0x2  }
0x151: {  	[tilespmem:s25+$0x11530] =	vst.add.f32.msk $0xffff, v1;
	s29 =	spop (v2sf)  }
0x152: {  	v1 =	vld [tilespmem:s29+$0xC800];
	_ =	sdelay $0x4  }
0x153: {  	[tilespmem:s25+$0x11540] =	vst.add.f32.msk $0xffff, v1  }
0x154: {  	v1 =	vld [tilespmem:s29+$0xC810];
	_ =	sdelay $0x1  }
0x155: {  	(v2sf) =	vpush v0, $0x8;
	_ =	sdelay $0x2  }
0x156: {  	[tilespmem:s25+$0x11550] =	vst.add.f32.msk $0xffff, v1;
	s29 =	spop (v2sf)  }
0x157: {  	v1 =	vld [tilespmem:s29+$0xC800];
	_ =	sdelay $0x4  }
0x158: {  	[tilespmem:s25+$0x11560] =	vst.add.f32.msk $0xffff, v1  }
0x159: {  	v1 =	vld [tilespmem:s29+$0xC810];
	_ =	sdelay $0x1  }
0x15a: {  	(v2sf) =	vpush v0, $0x9;
	_ =	sdelay $0x2  }
0x15b: {  	[tilespmem:s25+$0x11570] =	vst.add.f32.msk $0xffff, v1;
	s29 =	spop (v2sf)  }
0x15c: {  	v1 =	vld [tilespmem:s29+$0xC800];
	_ =	sdelay $0x4  }
0x15d: {  	[tilespmem:s25+$0x11580] =	vst.add.f32.msk $0xffff, v1  }
0x15e: {  	v1 =	vld [tilespmem:s29+$0xC810];
	_ =	sdelay $0x1  }
0x15f: {  	(v2sf) =	vpush v0, $0xA;
	_ =	sdelay $0x2  }
0x160: {  	[tilespmem:s25+$0x11590] =	vst.add.f32.msk $0xffff, v1;
	s29 =	spop (v2sf)  }
0x161: {  	v1 =	vld [tilespmem:s29+$0xC800];
	_ =	sdelay $0x4  }
0x162: {  	[tilespmem:s25+$0x115A0] =	vst.add.f32.msk $0xffff, v1  }
0x163: {  	v1 =	vld [tilespmem:s29+$0xC810];
	_ =	sdelay $0x1  }
0x164: {  	(v2sf) =	vpush v0, $0xB;
	_ =	sdelay $0x2  }
0x165: {  	[tilespmem:s25+$0x115B0] =	vst.add.f32.msk $0xffff, v1;
	s29 =	spop (v2sf)  }
0x166: {  	v1 =	vld [tilespmem:s29+$0xC800];
	_ =	sdelay $0x4  }
0x167: {  	[tilespmem:s25+$0x115C0] =	vst.add.f32.msk $0xffff, v1  }
0x168: {  	v1 =	vld [tilespmem:s29+$0xC810];
	_ =	sdelay $0x1  }
0x169: {  	(v2sf) =	vpush v0, $0xC;
	_ =	sdelay $0x2  }
0x16a: {  	[tilespmem:s25+$0x115D0] =	vst.add.f32.msk $0xffff, v1;
	s29 =	spop (v2sf)  }
0x16b: {  	v1 =	vld [tilespmem:s29+$0xC800];
	_ =	sdelay $0x4  }
0x16c: {  	[tilespmem:s25+$0x115E0] =	vst.add.f32.msk $0xffff, v1  }
0x16d: {  	v1 =	vld [tilespmem:s29+$0xC810];
	_ =	sdelay $0x1  }
0x16e: {  	(v2sf) =	vpush v0, $0xD;
	_ =	sdelay $0x2  }
0x16f: {  	[tilespmem:s25+$0x115F0] =	vst.add.f32.msk $0xffff, v1;
	s29 =	spop (v2sf)  }
0x170: {  	v1 =	vld [tilespmem:s29+$0xC800];
	_ =	sdelay $0x4  }
0x171: {  	[tilespmem:s25+$0x11600] =	vst.add.f32.msk $0xffff, v1  }
0x172: {  	v1 =	vld [tilespmem:s29+$0xC810];
	_ =	sdelay $0x1  }
0x173: {  	(v2sf) =	vpush v0, $0xE;
	_ =	sdelay $0x2  }
0x174: {  	[tilespmem:s25+$0x11610] =	vst.add.f32.msk $0xffff, v1;
	s29 =	spop (v2sf)  }
0x175: {  	v1 =	vld [tilespmem:s29+$0xC800];
	_ =	sdelay $0x4  }
0x176: {  	[tilespmem:s25+$0x11620] =	vst.add.f32.msk $0xffff, v1  }
0x177: {  	v1 =	vld [tilespmem:s29+$0xC810];
	_ =	sdelay $0x1  }
0x178: {  	(v2sf) =	vpush v0, $0xF;
	_ =	sdelay $0x2  }
0x179: {  	[tilespmem:s25+$0x11630] =	vst.add.f32.msk $0xffff, v1;
	s29 =	spop (v2sf)  }
0x17a: {  	v0 =	vld [tilespmem:s29+$0xC800];
	_ =	sdelay $0x4  }
0x17b: {  	[tilespmem:s25+$0x11640] =	vst.add.f32.msk $0xffff, v0  }
0x17c: {  	v0 =	vld [tilespmem:s29+$0xC810];
	_ =	sdelay $0x4  }
0x17d: {  	[tilespmem:s25+$0x11650] =	vst.add.f32.msk $0xffff, v0;
	s29 =	spop (v2sf)  }
0x17e: {  	v0 =	vld [tilespmem:s29+$0xC800];
	_ =	sdelay $0x1  }
.Ltmp1:
0x17f: {  	(pc) =	sbr.rel @p0 .LBB2_5-.Ltmp1, $3  }
0x180: {  	_ =	sdelay $0x1  }
0x181: {  	[tilespmem:s25+$0x11660] =	vst.add.f32.msk $0xffff, v0  }
0x182: {  	v0 =	vld [tilespmem:s29+$0xC810]  }
0x183: {  	_ = 	snop  }
0x184: {  	s24 =	sadd.s32 s6, s24  }
0x185: {  	s24 =	sshll.u32 s24, $0x2  }
0x186: {  	s24 =	sand.u32 $0x1FFFF800, s24  }
0x187: {  	s23 =	sadd.s32 $0x1, s23;
	s24 =	sadd.s32 s2, s24;
	[tilespmem:s25+$0x11670] =	vst.add.f32.msk $0xffff, v0  }
0x188: {  	[hbm4b:s24+s3] =	stream.linear.scatter [tilespmem:s15], [sflag:$0x4], $0x4000, $0x38;
	[tilespmem:$0x15480] =	vst v63  }
0x189: {  	p0 =	sne.s32 s23, $0x19;
	_ =	swait.ge [sflag:s18], $0x4000  }
.Ltmp2:
0x18a: {  	[sflag:s18] =	ssyncset.done $0x0;
	(pc) =	sbr.rel @p0 .LBB2_2-.Ltmp2, $4  }
0x18b: {  	[sflag:s18] =	ssyncadd.s32 $0xFFFFC000  }
0x18c: {  	_ =	swait.ge [sflag:s19], $0x4000  }
0x18d: {  	[sflag:s19] =	ssyncset.done $0x0  }
0x18e: {  	s21 =	sadd.s32 $0x400, s21;
	s22 =	sadd.s32 $0x400, s22;
	[sflag:s19] =	ssyncadd.s32 $0xFFFFC000  }
0x18f: {  	s20 =	sadd.s32 $0x1, s20  }
0x190: {  	p0 =	sne.s32 s20, s10  }
.Ltmp3:
0x191: {  	_ = 	snop;
	(pc) =	sbr.rel @p0 .LBB2_1-.Ltmp3, $1  }
0x192: {  	_ =	sdelay $0x3  }
0x193: {  	_ =	sfence.sel $0x180000  }
0x194: {  	[bflag:$0x0] =	sbarrier.arrive $0xFFFF  }
0x195: {  	p0 =	sne.s32 s0, $0x0;
	_ =	strace $0x90000047  }
0x196: {  	s0 =	sadd.s32 @!p0 $0x100000, s1;
	[bflag:$0x2] =	sbarrier.arrive $0xFFFF  }
0x197: {  	[sflag:s0] =	ssyncadd.tile.s32 @!p0 $0x1;
	_ =	shalt  }
.Lfunc_end2:
_tile_overlayer_lowered:
.L_overlay_start_2:
0x198: {  	(tag) =	ssettag $0x2  }
0x199: {  	s0 =	rddreg [dreg:$0x0];
	s2 =	stileid.u32  }
0x19a: {  	s1 =	rddreg [dreg:$0x1];
	p0 =	sne.s32 s2, $0x0  }
0x19b: {  	s3 =	rddreg [dreg:$0x2];
	[bflag:$0x3] =	sbarrier.arrive $0xFFFF;
	s2 =	simm.s32 @!p0 $0x1C05  }
0x19c: {  	[timem:s3], [sflag:s2] =	dma.local @!p0 [hbm:s0], s1  }
0x19d: {  	s0 =	simm.s32 @!p0 $0x5  }
0x19e: {  	_ =	swait.ge @!p0 [sflag:s0], s1  }
0x19f: {  	s1 =	ssub.s32 @!p0 $0x0, s1;
	[sflag:s0] =	ssyncset.done @!p0 $0x0  }
0x1a0: {  	[sflag:s0] =	ssyncadd.s32 @!p0 s1  }
0x1a1: {  	[bflag:$0x3] =	sbarrier.arrive $0xFFFF  }
0x1a2: {  	_ =	shalt  }

// kernel: sparse-core-data-format-call.1.cloned.1.call-start
scs
called_computation.1_lowered:
.L_overlay_start_0:
0x0: {  	s2 =	sld [smem:$0x3FD9]  }
0x1: {  	s3 =	sld [smem:$0x3FFE];
	_ =	sdelay $0x1  }
0x2: {  	s1 =	srdreg.scid  }
0x3: {  	s0 =	sand.u32 $0x1, s1  }
0x4: {  	s18 =	sshll.u32 s0, $0xA;
	s2 =	sadd.s32 s3, s2  }
0x5: {  	s2 =	sadd.s32 s2, s18  }
0x6: {  	[smem:$0x3FC4] =	sst s2  }
0x7: {  	_ = 	snop  }
0x8: {  	s2 =	sld [smem:$0x3FD0];
	(tm) =	ssettm $0x1  }
0x9: {  	s19 =	sld [smem:$0x3FFB];
	_ =	sdelay $0x3  }
0xa: {  	_ =	strace s19  }
0xb: {  	s3 =	sld [smem:$0x3FFC];
	_ =	sdelay $0x3  }
0xc: {  	_ =	strace s3  }
0xd: {  	s3 =	sld [smem:$0x3FFD];
	_ =	sdelay $0x3  }
0xe: {  	_ =	strace s3  }
0xf: {  	_ =	strace $0x8FFFFFFF  }
0x10: {  	s20 =	sld [smem:$0x3FDB];
	_ =	sdelay $0x1  }
0x11: {  	s4 =	simm.s32 $_scs_section_size  }
0x12: {  	s5 =	simm.s32 $_size__tile_overlayer_lowered;
	s6 =	simm.s32 $_tile_overlayer_lowered  }
0x13: {  	s23 =	simm.s32 $0x1BFF;
	s22 =	sshll.u32 s6, $0x1;
	s3 =	sadd.s32 s4, s20  }
0x14: {  	s7 =	simm.s32 $0x0;
	s21 =	sshll.u32 s5, $0x1;
	s5 =	sadd.s32 s22, s3  }
0x15: {  	[timem:s7], [sflag:s23] =	dma.local [hbm:s5], s21  }
0x16: {  	_ =	swait.ge [sflag:s23], s21  }
0x17: {  	s4 =	ssub.s32 $0x0, s21;
	[sflag:s23] =	ssyncset.done $0x0  }
0x18: {  	[sflag:s23] =	ssyncadd.s32 s4;
	_ =	sdelay $0x1  }
0x19: {  	s24 =	simm.s32 $0x1B8B  }
0x1a: {  	_ =	swait.ge [sflag:s24], $0x1  }
0x1b: {  	[sflag:s24] =	ssyncset.done $0x0  }
0x1c: {  	s26 =	simm.s32 $0x1B8E;
	s25 =	sld [smem:$0x3FFE];
	[sflag:s24] =	ssyncadd.s32 $0xFFFFFFFF  }
0x1d: {  	s27 =	simm.s32 $execute0_lowered;
	[smem:$0x3FD2] =	sst s26  }
0x1e: {  	s5 =	sshll.u32 s27, $0x1;
	_ =	strace $0x80000049;
	[dreg:$0x1] =	wrdreg $0xFFFFFFFF  }
0x1f: {  	s28 =	simm.s32 $_size_execute0_lowered;
	s3 =	sadd.s32 s3, s5;
	[dreg:$0x0] =	wrdreg $0x0  }
0x20: {  	s5 =	sshll.u32 s28, $0x1;
	[dreg:$0x2] =	wrdreg s3  }
0x21: {  	[dreg:$0x3] =	wrdreg s5  }
0x22: {  	[dreg:$0x4] =	wrdreg $0xC0  }
0x23: {  	_ =	task [dreg:s7], $0x5FFFF  }
0x24: {  	[dreg:$0x1] =	wrdreg $0xFFFFFFFF  }
0x25: {  	[dreg:$0x0] =	wrdreg $0x60  }
0x26: {  	[dreg:$0x2] =	wrdreg s25  }
0x27: {  	[dreg:$0x3] =	wrdreg s2  }
0x28: {  	[dreg:$0x4] =	wrdreg $0x9  }
0x29: {  	_ =	task.clear_ibuf [dreg:s7], $0x5FFFF;
	_ =	strace $0x90000049  }
0x2a: {  	s29 =	simm.s32 $0x9;
	_ =	strace $0x8000004B  }
0x2b: {  	_ =	swait.ge [sflag:s29], $0x1  }
0x2c: {  	[sflag:s29] =	ssyncadd.s32 $0xFFFFFFFF  }
0x2d: {  	_ =	strace $0x9000004B  }
0x2e: {  	_ =	sfence  }
0x2f: {  	s30 =	sld [smem:$0x0];
	_ =	sdelay $0x2  }
0x30: {  	s31 =	sshll.u32 s1, $0xD;
	s1 =	sshrl.u32 s1, $0x2  }
0x31: {  	s3 =	sand.u32 $0x4000, s31;
	s1 =	sadd.s32 s1, s30  }
0x32: {  	s0 =	sor.u32 s3, s0;
	s1 =	sshll.u32 s1, $0x11  }
0x33: {  	s0 =	sor.u32 s1, s0  }
0x34: {  	s0 =	sadd.s32 $0x8F2B, s0  }
0x35: {  	[sflag:s0] =	ssyncadd.remote.s32 $0x1  }
0x36: {  	_ =	sfence.sel $0xFFFF  }
0x37: {  	[dreg:$0x0] =	wrdreg $0xFFFFFFFF;
	(pc) =	sbr.abs _section_cstart, $3  }
0x38: {  	[dreg:$0x1] =	wrdreg $0xFFFFFFFF  }
0x39: {  	_ =	task.clear_ibuf [dreg:s7], $0x2FFFF;
	_ =	strace $0x9FFFFFFF  }
0x3a: {  	(tm) =	ssettm $0x7FFFFFFF  }
0x3b: {  	_ =	shalt  }
tec
execute0_lowered:
.L_overlay_start_1:
0x0: {  	(tag) =	ssettag $0x1  }
0x1: {  	s0 =	srdreg.scid  }
0x2: {  	s1 =	sshll.u32 s0, $0x4  }
0x3: {  	s4 =	rddreg [dreg:$0x0];
	s0 =	stileid.u32;
	s1 =	sand.u32 $0x10, s1  }
0x4: {  	s2 =	rddreg [dreg:$0x1];
	s7 =	simm.s32 $0x1;
	s1 =	sor.u32 s0, s1  }
0x5: {  	s8 =	simm.s32 $0x2;
	s11 =	simm.s32 $0x0;
	s3 =	sshll.u32 s1, $0x7  }
0x6: {  	s10 =	simm.s32 $0x0;
	s4 =	sadd.s32 $0x1200, s4;
	s6 =	ssub.s32 $0xC8000, s3  }
.Ltmp0:
0x7: {  	s1 =	rddreg [dreg:$0x2];
	s5 =	sand.u32 $0xF80, s6;
	(pc) =	sbr.rel .LBB1_1-.Ltmp0, $4  }
0x8: {  	_ =	strace $0x8000004A;
	s9 =	smov.u32 s3;
	p0 =	sne.s32 s5, $0x0  }
0x9: {  	s6 =	sshrl.u32 s6, $0xC;
	s5 =	simm.s32 $0x1;
	s7 =	simm.s32 @!p0 $0x0  }
0xa: {  	[sflag:s5] =	ssyncpa.u1 $0x0;
	p0 =	por $0x0, $0x0;
	s6 =	sadd.s32 s7, s6  }
0xb: {  	[sflag:s8] =	ssyncpa.u1 $0x0;
	s8 =	simm.s32 $0x640000;
	s7 =	sadd.s32 $0x1, s6  }
.LBB1_4:
0xc: {  	s14 =	sshll.u32 s11, $0x3  }
0xd: {  	s30 =	sand.u32 $0x7F, s11;
	s15 =	sand.u32 $0xFFFFFC00, s14  }
0xe: {  	s11 =	sor.u32 s30, s15  }
0xf: {  	s15 =	smulhi.u32 $0x51EB851F, s11  }
0x10: {  	s14 =	smulhi.u32 $0x51EB851F, s14  }
0x11: {  	s15 =	sshrl.u32 s15, $0x12  }
0x12: {  	s14 =	sshrl.u32 s14, $0x12;
	s15 =	smul.u32 $0xC8000, s15  }
0x13: {  	s14 =	sand.u32 $0x1F, s14  }
0x14: {  	s14 =	smul.u32 $0x19000, s14;
	s11 =	ssub.s32 s11, s15  }
0x15: {  	s15 =	sand.u32 $0x7, s11  }
0x16: {  	s14 =	sadd.s32 s2, s14;
	s11 =	sshrl.u32 s11, $0x3;
	s15 =	sshll.u32 s15, $0x12  }
0x17: {  	[tilespmem:s13+$0x0 ss:$0x81] =	vst.msk $0xffff, v0;
	s11 =	sadd.s32 s11, s14;
	s31 =	sor.u32 $0x400, s15  }
0x18: {  	[hbm4b:s11+s31] =	stream.strided.scatter [tilespmem:s12], [sflag:$0x2], $0x1000, s8, s31, $0x20;
	[tilespmem:$0x4040] =	vst v63  }
.LBB1_5:
0x19: {  	s13 =	sadd.s32 $0x1000, s9  }
0x1a: {  	p2 =	sgt.s32 s13, $0xC7FFF  }
0x1b: {  	s13 =	smov.u32 @p2 s3;
	p2 =	sne.s32 s10, s7  }
.Ltmp1:
0x1c: {  	p1 =	slt.u32 s10, $0x2;
	(pc) =	sbr.rel @!p2 .LBB1_6-.Ltmp1, $4  }
0x1d: {  	s12 =	simm.s32 @!p1 $0x2  }
0x1e: {  	s14 =	sadd.s32 $0x1, s10;
	_ =	swait.ge @!p1 [sflag:s12], $0x1000  }
0x1f: {  	s11 =	smov.u32 s9;
	p0 =	por !p0, !p0;
	[sflag:s12] =	ssyncset.done @!p1 $0x0  }
0x20: {  	s10 =	smov.u32 s14;
	s9 =	smov.u32 s13;
	[sflag:s12] =	ssyncadd.s32 @!p1 $0xFFFFF000  }
.LBB1_1:
0x21: {  	p1 =	sge.u32 s10, s6  }
0x22: {  	s12 =	sand.u32 @!p1 $0x1FFFFFF, s9  }
0x23: {  	s13 =	smulhi.u32 @!p1 $0x147AE15, s12;
	_ =	sdelay $0x1  }
0x24: {  	s13 =	sshrl.u32 @!p1 s13, $0xC  }
0x25: {  	s13 =	smul.u32 @!p1 $0xC8000, s13;
	_ =	sdelay $0x1  }
0x26: {  	s31 =	sadd.s32 $0xFFFFFFFF, s10;
	s14 =	sxor.u32 @!p1 $0xFFFFFFFF, s10;
	s12 =	ssub.s32 @!p1 s12, s13  }
0x27: {  	s15 =	simm.s32 @!p1 $0x80;
	s14 =	sshll.u32 @!p1 s14, $0xC;
	s12 =	sshll.u32 @!p1 s12, $0x4  }
0x28: {  	s13 =	sand.u32 @!p1 $0x1000, s14;
	s14 =	simm.s32 @!p1 $0x20;
	s12 =	sadd.s32 @!p1 s4, s12  }
0x29: {  	[tilespmem:s13], [sflag:$0x1] =	stream.strided.gather @!p1 [hbm4b:s12+s14], $0x1000, s15, s14, $0x38;
	[tilespmem:$0x4040] =	vst v63  }
0x2a: {  	p1 =	sge.u32 s31, s6  }
.Ltmp2:
0x2b: {  	_ = 	snop;
	(pc) =	sbr.rel @p1 .LBB1_5-.Ltmp2, $1  }
0x2c: {  	_ =	sdelay $0x3  }
0x2d: {  	s12 =	simm.s32 $0x1  }
0x2e: {  	_ =	swait.ge [sflag:s5], $0x1000;
	s12 =	simm.s32 @!p0 $0x0  }
0x2f: {  	[sflag:s5] =	ssyncset.done $0x0;
	s13 =	sshll.u32 s12, $0xC  }
0x30: {  	[sflag:s5] =	ssyncadd.s32 $0xFFFFF000;
	s16 =	sor.u32 $0x10, s13  }
0x31: {  	s12 =	smul.u32 $0x4080, s12;
	v1 =	vld [tilespmem:s16+$0x0]  }
0x32: {  	s30 =	sand.u32 $0x1, s10;
	v0 =	vld [tilespmem:s16+$0xFFFFFFF0]  }
0x33: {  	s13 =	smul.u32 $0x4080, s30;
	s12 =	sshrl.u32 s12, $0x2  }
0x34: {  	s14 =	sor.u32 $0x2000, s12  }
0x35: {  	s31 =	sshrl.u32 s13, $0x2;
	s13 =	sadd.s32 $0x0, s14  }
0x36: {  	s15 =	simm.s32 $0x4;
	s16 =	sadd.s32 $0x20, s16;
	s12 =	sor.u32 $0x2000, s31;
	[tilespmem:s13+$0x810 ss:$0x81] =	vst.msk $0xffff, v1  }
.LBB1_3:
0x37: {  	v1 =	vld [tilespmem:s16+$0x0];
	p1 =	sne.s32 s15, $0x1FC;
	[tilespmem:s13+$0x0 ss:$0x81] =	vst.msk $0xffff, v0;
	s13 =	smov.u32 s15;
	s15 =	sadd.s32 $0x4, s15  }
.Ltmp3:
0x38: {  	v0 =	vld [tilespmem:s16+$0xFFFFFFF0];
	(pc) =	sbr.rel @p1 .LBB1_3-.Ltmp3, $4  }
0x39: {  	_ = 	snop  }
0x3a: {  	s13 =	sshra.s32 s13, $0x2  }
0x3b: {  	s13 =	sadd.s32 s13, s14  }
0x3c: {  	s16 =	sadd.s32 $0x20, s16;
	[tilespmem:s13+$0x810 ss:$0x81] =	vst.msk $0xffff, v1  }
.Ltmp4:
0x3d: {  	_ = 	snop;
	(pc) =	sbr.rel .LBB1_4-.Ltmp4, $1  }
0x3e: {  	_ =	sdelay $0x3  }
.LBB1_6:
0x3f: {  	_ =	sfence.sel $0x180000  }
0x40: {  	s2 =	simm.s32 $0x1;
	[bflag:$0x0] =	sbarrier.arrive $0xFFFF  }
0x41: {  	s31 =	simm.s32 $0x2;
	[sflag:s2] =	ssyncpa.u1 $0x1  }
0x42: {  	[sflag:s31] =	ssyncpa.u1 $0x1  }
0x43: {  	p0 =	sne.s32 s0, $0x0;
	_ =	strace $0x9000004A  }
0x44: {  	s0 =	sadd.s32 @!p0 $0x100000, s1;
	[bflag:$0x2] =	sbarrier.arrive $0xFFFF  }
0x45: {  	[sflag:s0] =	ssyncadd.tile.s32 @!p0 $0x1;
	_ =	shalt  }
.Lfunc_end1:
_tile_overlayer_lowered:
.L_overlay_start_2:
0x46: {  	(tag) =	ssettag $0x2  }
0x47: {  	s0 =	rddreg [dreg:$0x0];
	s2 =	stileid.u32  }
0x48: {  	s1 =	rddreg [dreg:$0x1];
	p0 =	sne.s32 s2, $0x0  }
0x49: {  	s3 =	rddreg [dreg:$0x2];
	[bflag:$0x3] =	sbarrier.arrive $0xFFFF;
	s2 =	simm.s32 @!p0 $0x1C01  }
0x4a: {  	[timem:s3], [sflag:s2] =	dma.local @!p0 [hbm:s0], s1  }
0x4b: {  	s0 =	simm.s32 @!p0 $0x1  }
0x4c: {  	_ =	swait.ge @!p0 [sflag:s0], s1  }
0x4d: {  	s1 =	ssub.s32 @!p0 $0x0, s1;
	[sflag:s0] =	ssyncset.done @!p0 $0x0  }
0x4e: {  	[sflag:s0] =	ssyncadd.s32 @!p0 s1  }
0x4f: {  	[bflag:$0x3] =	sbarrier.arrive $0xFFFF  }
0x50: {  	_ =	shalt  }

// kernel: sparse-core-data-format-call.cloned.1.call-start
scs
called_computation_lowered:
.L_overlay_start_0:
0x0: {  	s2 =	sld [smem:$0x3FD9]  }
0x1: {  	s3 =	sld [smem:$0x3FFE];
	_ =	sdelay $0x1  }
0x2: {  	s1 =	srdreg.scid  }
0x3: {  	s0 =	sand.u32 $0x1, s1  }
0x4: {  	s18 =	sshll.u32 s0, $0xA;
	s2 =	sadd.s32 s3, s2  }
0x5: {  	s2 =	sadd.s32 s2, s18  }
0x6: {  	[smem:$0x3FC4] =	sst s2  }
0x7: {  	_ = 	snop  }
0x8: {  	s2 =	sld [smem:$0x3FD0];
	(tm) =	ssettm $0x1  }
0x9: {  	s19 =	sld [smem:$0x3FFB];
	_ =	sdelay $0x3  }
0xa: {  	_ =	strace s19  }
0xb: {  	s3 =	sld [smem:$0x3FFC];
	_ =	sdelay $0x3  }
0xc: {  	_ =	strace s3  }
0xd: {  	s3 =	sld [smem:$0x3FFD];
	_ =	sdelay $0x3  }
0xe: {  	_ =	strace s3  }
0xf: {  	_ =	strace $0x8FFFFFFF  }
0x10: {  	s20 =	sld [smem:$0x3FDB];
	_ =	sdelay $0x1  }
0x11: {  	s4 =	simm.s32 $_scs_section_size  }
0x12: {  	s5 =	simm.s32 $_size__tile_overlayer_lowered;
	s6 =	simm.s32 $_tile_overlayer_lowered  }
0x13: {  	s23 =	simm.s32 $0x1BFF;
	s22 =	sshll.u32 s6, $0x1;
	s3 =	sadd.s32 s4, s20  }
0x14: {  	s7 =	simm.s32 $0x0;
	s21 =	sshll.u32 s5, $0x1;
	s5 =	sadd.s32 s22, s3  }
0x15: {  	[timem:s7], [sflag:s23] =	dma.local [hbm:s5], s21  }
0x16: {  	_ =	swait.ge [sflag:s23], s21  }
0x17: {  	s4 =	ssub.s32 $0x0, s21;
	[sflag:s23] =	ssyncset.done $0x0  }
0x18: {  	[sflag:s23] =	ssyncadd.s32 s4;
	_ =	sdelay $0x1  }
0x19: {  	s24 =	simm.s32 $0x1B8B  }
0x1a: {  	_ =	swait.ge [sflag:s24], $0x1  }
0x1b: {  	[sflag:s24] =	ssyncset.done $0x0  }
0x1c: {  	s26 =	simm.s32 $0x1B8E;
	s25 =	sld [smem:$0x3FFE];
	[sflag:s24] =	ssyncadd.s32 $0xFFFFFFFF  }
0x1d: {  	s27 =	simm.s32 $execute0_lowered;
	[smem:$0x3FD2] =	sst s26  }
0x1e: {  	s5 =	sshll.u32 s27, $0x1;
	_ =	strace $0x8000004C;
	[dreg:$0x1] =	wrdreg $0xFFFFFFFF  }
0x1f: {  	s28 =	simm.s32 $_size_execute0_lowered;
	s3 =	sadd.s32 s3, s5;
	[dreg:$0x0] =	wrdreg $0x0  }
0x20: {  	s5 =	sshll.u32 s28, $0x1;
	[dreg:$0x2] =	wrdreg s3  }
0x21: {  	[dreg:$0x3] =	wrdreg s5  }
0x22: {  	[dreg:$0x4] =	wrdreg $0xC0  }
0x23: {  	_ =	task [dreg:s7], $0x5FFFF  }
0x24: {  	[dreg:$0x1] =	wrdreg $0xFFFFFFFF  }
0x25: {  	[dreg:$0x0] =	wrdreg $0x60  }
0x26: {  	[dreg:$0x2] =	wrdreg s25  }
0x27: {  	[dreg:$0x3] =	wrdreg s2  }
0x28: {  	[dreg:$0x4] =	wrdreg $0x9  }
0x29: {  	_ =	task.clear_ibuf [dreg:s7], $0x5FFFF;
	_ =	strace $0x9000004C  }
0x2a: {  	s29 =	simm.s32 $0x9;
	_ =	strace $0x8000004E  }
0x2b: {  	_ =	swait.ge [sflag:s29], $0x1  }
0x2c: {  	[sflag:s29] =	ssyncadd.s32 $0xFFFFFFFF  }
0x2d: {  	_ =	strace $0x9000004E  }
0x2e: {  	_ =	sfence  }
0x2f: {  	s30 =	sld [smem:$0x0];
	_ =	sdelay $0x2  }
0x30: {  	s31 =	sshll.u32 s1, $0xD;
	s1 =	sshrl.u32 s1, $0x2  }
0x31: {  	s3 =	sand.u32 $0x4000, s31;
	s1 =	sadd.s32 s1, s30  }
0x32: {  	s0 =	sor.u32 s3, s0;
	s1 =	sshll.u32 s1, $0x11  }
0x33: {  	s0 =	sor.u32 s1, s0  }
0x34: {  	s0 =	sadd.s32 $0x8F2B, s0  }
0x35: {  	[sflag:s0] =	ssyncadd.remote.s32 $0x1  }
0x36: {  	_ =	sfence.sel $0xFFFF  }
0x37: {  	[dreg:$0x0] =	wrdreg $0xFFFFFFFF;
	(pc) =	sbr.abs _section_cstart, $3  }
0x38: {  	[dreg:$0x1] =	wrdreg $0xFFFFFFFF  }
0x39: {  	_ =	task.clear_ibuf [dreg:s7], $0x2FFFF;
	_ =	strace $0x9FFFFFFF  }
0x3a: {  	(tm) =	ssettm $0x7FFFFFFF  }
0x3b: {  	_ =	shalt  }
tec
execute0_lowered:
.L_overlay_start_1:
0x0: {  	(tag) =	ssettag $0x1  }
0x1: {  	s8 =	rddreg [dreg:$0x0]  }
0x2: {  	s2 =	rddreg [dreg:$0x1];
	s1 =	stileid.u32  }
0x3: {  	s4 =	srdreg.scid;
	s0 =	rddreg [dreg:$0x2];
	_ =	strace $0x8000004D  }
0x4: {  	s9 =	simm.s32 $0x1;
	s31 =	simm.s32 $0x2;
	s16 =	simm.s32 $0x0  }
0x5: {  	s17 =	simm.s32 $0x0;
	s11 =	simm.s32 $0x0;
	s12 =	simm.s32 $0x0  }
0x6: {  	s15 =	simm.s32 $0x0;
	s3 =	sshll.u32 s1, $0x1;
	s4 =	sshll.u32 s4, $0x7  }
0x7: {  	s4 =	sand.u32 $0x80, s4;
	s5 =	ssub.s32 $0x20, s3;
	s14 =	smov.u32 s3  }
0x8: {  	s6 =	sshrl.u32 s5, $0x5;
	s5 =	sand.u32 $0x1E, s5;
	s7 =	ssub.s32 $0x4000, s4  }
0x9: {  	p0 =	sne.s32 s5, $0x0;
	s30 =	sshrl.u32 s7, $0x7;
	s7 =	sshrl.u32 s7, $0x8  }
.Ltmp0:
0xa: {  	s9 =	simm.s32 @!p0 $0x0;
	s10 =	sand.u32 $0x1, s30;
	(pc) =	sbr.rel .LBB1_1-.Ltmp0, $4  }
0xb: {  	s5 =	simm.s32 $0x1;
	s6 =	sadd.s32 s9, s6;
	s7 =	sadd.s32 s7, s10  }
0xc: {  	s13 =	smov.u32 s4;
	[sflag:s5] =	ssyncpa.u1 $0x0;
	s6 =	smul.u32 s6, s7  }
0xd: {  	p0 =	por $0x0, $0x0;
	[sflag:s31] =	ssyncpa.u1 $0x0;
	s10 =	simm.s32 $0x80000  }
0xe: {  	s7 =	sadd.s32 $0x1200, s8;
	s8 =	sadd.s32 $0x41200, s8;
	s9 =	sadd.s32 $0x1, s6  }
.LBB1_7:
0xf: {  	p1 =	slt.u32 s15, $0x2  }
0x10: {  	s19 =	smov.u32 s17;
	p2 =	sgt.s32 @!p1 s17, $0x1E;
	s18 =	sshra.s32 @!p1 s17, $0x1F  }
0x11: {  	p3 =	sgt.s32 @!p1 s16, $0x3F80;
	s20 =	sshra.s32 @!p1 s16, $0x1F;
	p2 =	por !p2, p1  }
0x12: {  	s17 =	sand.u32 @!p1 s18, s17;
	p3 =	por !p3, p1;
	s18 =	smov.u32 s16  }
0x13: {  	s16 =	sand.u32 @!p1 s20, s16;
	s19 =	simm.s32 @p2 $0x1E;
	s18 =	simm.s32 @p3 $0x3F80  }
0x14: {  	s20 =	smov.u32 s14;
	s17 =	ssub.s32 @!p1 s19, s17;
	s16 =	ssub.s32 @!p1 s18, s16  }
0x15: {  	s18 =	sadd.s32 @!p1 $0xFFFFFFE2, s17;
	s17 =	ssub.s32 @!p1 $0x20, s17;
	s19 =	sadd.s32 @!p1 $0xFFFFC080, s16  }
0x16: {  	p2 =	sgt.s32 @!p1 s18, $0x1;
	s17 =	smul.u32 @!p1 $0x32, s17;
	p3 =	sgt.s32 @!p1 s19, $0x7F  }
0x17: {  	s16 =	ssub.s32 @!p1 $0x4000, s16;
	p2 =	por !p2, p1;
	p3 =	por !p3, p1  }
0x18: {  	s18 =	sadd.s32 $0x100, s13;
	s17 =	simm.s32 @!p2 $0x0;
	s16 =	simm.s32 @!p3 $0x0  }
0x19: {  	p2 =	sgt.s32 s18, $0x3FFF;
	s16 =	smul.u32 @!p1 s16, s17;
	s17 =	sadd.s32 $0x20, s14  }
0x1a: {  	s20 =	smov.u32 @p2 s17  }
0x1b: {  	s18 =	smov.u32 @p2 s4;
	p2 =	sgt.s32 s20, $0x1F  }
0x1c: {  	s20 =	smov.u32 @p2 s3;
	p2 =	sne.s32 s15, s9  }
.Ltmp1:
0x1d: {  	p0 =	por !p0, !p0;
	s19 =	simm.s32 @!p1 $0x2;
	(pc) =	sbr.rel @!p2 .LBB1_8-.Ltmp1, $4  }
0x1e: {  	s17 =	smov.u32 s12;
	s12 =	smov.u32 s14;
	s16 =	sand.u32 @!p1 $0x3FFFFFFE, s16  }
0x1f: {  	_ =	swait.ge @!p1 [sflag:s19], s16;
	s21 =	ssub.s32 @!p1 $0x0, s16;
	s16 =	smov.u32 s11  }
0x20: {  	s15 =	sadd.s32 $0x1, s15;
	s11 =	smov.u32 s13;
	[sflag:s19] =	ssyncset.done @!p1 $0x0  }
0x21: {  	s13 =	smov.u32 s18;
	s14 =	smov.u32 s20;
	[sflag:s19] =	ssyncadd.s32 @!p1 s21  }
.LBB1_1:
0x22: {  	p1 =	sge.u32 s15, s6  }
0x23: {  	s18 =	sxor.u32 @!p1 $0xFFFFFFFF, s15;
	s19 =	sshll.u32 @!p1 s14, $0x12  }
0x24: {  	s20 =	sshll.u32 @!p1 s13, $0x4;
	s22 =	simm.s32 @!p1 $0x40;
	s23 =	simm.s32 @!p1 $0x80  }
0x25: {  	s18 =	sshll.u32 @!p1 s18, $0xE;
	s20 =	sand.u32 @!p1 $0x3FFF0, s20;
	s21 =	sadd.s32 @!p1 s7, s19  }
0x26: {  	s19 =	sadd.s32 @!p1 s19, s8;
	s18 =	sand.u32 @!p1 $0x4000, s18;
	s21 =	sadd.s32 @!p1 s20, s21  }
0x27: {  	[tilespmem:s18], [sflag:$0x1] =	stream.strided.gather @!p1 [hbm4b:s21+s22], $0x2000, s23, s22, $0x38;
	[tilespmem:$0x10100] =	vst v63  }
0x28: {  	s31 =	sadd.s32 $0xFFFFFFFF, s15;
	s19 =	sadd.s32 @!p1 s20, s19;
	s18 =	sor.u32 @!p1 $0x2000, s18  }
0x29: {  	[tilespmem:s18], [sflag:$0x1] =	stream.strided.gather @!p1 [hbm4b:s19+s22], $0x2000, s23, s22, $0x38;
	[tilespmem:$0x10100] =	vst v63  }
0x2a: {  	p1 =	sge.u32 s31, s6  }
.Ltmp2:
0x2b: {  	_ = 	snop;
	(pc) =	sbr.rel @p1 .LBB1_7-.Ltmp2, $1  }
0x2c: {  	_ =	sdelay $0x3  }
0x2d: {  	s18 =	simm.s32 $0x1;
	s20 =	sand.u32 $0x1, s15  }
0x2e: {  	_ =	swait.ge [sflag:s5], $0x4000;
	s18 =	simm.s32 @!p0 $0x0;
	s20 =	smul.u32 $0x10200, s20  }
0x2f: {  	p2 =	por $0x1, $0x1;
	[sflag:s5] =	ssyncset.done $0x0;
	s19 =	smul.u32 $0x10200, s18  }
0x30: {  	s21 =	sshll.u32 s18, $0x10;
	[sflag:s5] =	ssyncadd.s32 $0xFFFFC000;
	s30 =	sshrl.u32 s20, $0x2  }
0x31: {  	s31 =	sshrl.u32 s21, $0x2;
	s21 =	simm.s32 $0x0;
	s19 =	sshrl.u32 s19, $0x2  }
0x32: {  	s18 =	sor.u32 $0x8000, s30;
	s20 =	sadd.s32 $0x20, s31;
	s19 =	sor.u32 $0x8000, s19  }
.LBB1_3:
0x33: {  	s22 =	sshll.u32 s21, $0xD  }
0x34: {  	s22 =	sand.u32 $0x3FFFE000, s22  }
0x35: {  	s24 =	sadd.s32 s22, s20  }
0x36: {  	s31 =	smul.u32 $0x204, s21;
	v3 =	vld [tilespmem:s24+$0x10]  }
0x37: {  	v1 =	vld [tilespmem:s24+$0xFFFFFFF0]  }
0x38: {  	s21 =	sshra.s32 s31, $0x2;
	v0 =	vld [tilespmem:s24+$0x0]  }
0x39: {  	s21 =	sadd.s32 s21, s19;
	v2 =	vld [tilespmem:s24+$0xFFFFFFE0]  }
0x3a: {  	s22 =	sadd.s32 $0x0, s21  }
0x3b: {  	p1 =	por p2, p2;
	s23 =	simm.s32 $0x4;
	s24 =	sadd.s32 $0x40, s24;
	[tilespmem:s22+$0x3060 ss:$0x102] =	vst.msk $0xffff, v3  }
.LBB1_4:
0x3c: {  	v3 =	vld [tilespmem:s24+$0x10];
	p2 =	sne.s32 s23, $0x1FC;
	[tilespmem:s22+$0x1020 ss:$0x102] =	vst.msk $0xffff, v1;
	s25 =	smov.u32 s23;
	s23 =	sadd.s32 $0x4, s23  }
.Ltmp3:
0x3d: {  	v1 =	vld [tilespmem:s24+$0xFFFFFFF0];
	[tilespmem:s22+$0x2040 ss:$0x102] =	vst.msk $0xffff, v0;
	(pc) =	sbr.rel @p2 .LBB1_4-.Ltmp3, $4  }
0x3e: {  	v0 =	vld [tilespmem:s24+$0x0];
	[tilespmem:s22+$0x0 ss:$0x102] =	vst.msk $0xffff, v2  }
0x3f: {  	s22 =	sshra.s32 s25, $0x2;
	v2 =	vld [tilespmem:s24+$0xFFFFFFE0]  }
0x40: {  	s22 =	sadd.s32 s22, s21  }
0x41: {  	s24 =	sadd.s32 $0x40, s24;
	[tilespmem:s22+$0x3060 ss:$0x102] =	vst.msk $0xffff, v3  }
.Ltmp4:
0x42: {  	(pc) =	sbr.rel @p1 .LBB1_3-.Ltmp4, $4  }
0x43: {  	_ = 	snop  }
0x44: {  	[tilespmem:s22+$0x1020 ss:$0x102] =	vst.msk $0xffff, v1  }
0x45: {  	[tilespmem:s22+$0x2040 ss:$0x102] =	vst.msk $0xffff, v0  }
0x46: {  	s21 =	simm.s32 $0x1;
	p2 =	por $0x0, $0x0;
	[tilespmem:s22+$0x0 ss:$0x102] =	vst.msk $0xffff, v2  }
0x47: {  	s19 =	sand.u32 $0x78, s11;
	p1 =	sgt.s32 s12, $0x1E;
	s20 =	smov.u32 s12  }
0x48: {  	s21 =	sshra.s32 s12, $0x1F;
	s22 =	sshll.u32 s12, $0xE;
	s23 =	sshll.u32 s11, $0x3  }
0x49: {  	s30 =	sshra.s32 s11, $0x1F;
	s25 =	sshll.u32 s12, $0x7;
	s20 =	simm.s32 @!p1 $0x1E  }
0x4a: {  	s21 =	sand.u32 s21, s12;
	s22 =	sand.u32 $0x60000, s22;
	p1 =	sgt.s32 s11, $0x3F80  }
0x4b: {  	s25 =	sand.u32 $0x380, s25;
	s20 =	ssub.s32 s20, s21;
	s21 =	smov.u32 s11  }
0x4c: {  	s22 =	sadd.s32 s22, s23;
	s24 =	sadd.s32 $0xFFFFFFE2, s20;
	s21 =	simm.s32 @!p1 $0x3F80  }
0x4d: {  	s20 =	ssub.s32 $0x20, s20;
	p1 =	sgt.s32 s24, $0x1;
	s24 =	sand.u32 s30, s11  }
0x4e: {  	s23 =	sand.u32 $0x3C00, s23;
	s20 =	smul.u32 $0x32, s20;
	s21 =	ssub.s32 s21, s24  }
0x4f: {  	s19 =	sor.u32 s25, s19;
	s22 =	sand.u32 $0x7C000, s22;
	s24 =	sadd.s32 $0xFFFFC080, s21  }
0x50: {  	s20 =	simm.s32 @p1 $0x0;
	s21 =	ssub.s32 $0x4000, s21;
	p1 =	sgt.s32 s24, $0x7F  }
.Ltmp5:
0x51: {  	s19 =	sor.u32 s23, s19;
	s21 =	simm.s32 @p1 $0x0;
	(pc) =	sbr.rel .LBB1_7-.Ltmp5, $4  }
0x52: {  	s31 =	sand.u32 $0x7, s11;
	s19 =	sor.u32 s22, s19;
	s20 =	smul.u32 s21, s20  }
0x53: {  	s19 =	sshrl.u32 s19, $0x3;
	s21 =	sshll.u32 s31, $0x12  }
0x54: {  	s19 =	sadd.s32 s2, s19;
	s21 =	sor.u32 $0x100, s21;
	s20 =	sand.u32 $0x3FFFFFFE, s20  }
0x55: {  	[hbm4b:s19+s21] =	stream.strided.scatter [tilespmem:s18], [sflag:$0x2], s20, s10, s21, $0x20;
	[tilespmem:$0x10100] =	vst v63  }
.LBB1_8:
0x56: {  	_ =	sfence.sel $0x180000  }
0x57: {  	s2 =	simm.s32 $0x1;
	[bflag:$0x0] =	sbarrier.arrive $0xFFFF  }
0x58: {  	s31 =	simm.s32 $0x2;
	[sflag:s2] =	ssyncpa.u1 $0x1  }
0x59: {  	[sflag:s31] =	ssyncpa.u1 $0x1  }
0x5a: {  	p0 =	sne.s32 s1, $0x0;
	_ =	strace $0x9000004D  }
0x5b: {  	s0 =	sadd.s32 @!p0 $0x100000, s0;
	[bflag:$0x2] =	sbarrier.arrive $0xFFFF  }
0x5c: {  	[sflag:s0] =	ssyncadd.tile.s32 @!p0 $0x1;
	_ =	shalt  }
.Lfunc_end1:
_tile_overlayer_lowered:
.L_overlay_start_2:
0x5d: {  	(tag) =	ssettag $0x2  }
0x5e: {  	s0 =	rddreg [dreg:$0x0];
	s2 =	stileid.u32  }
0x5f: {  	s1 =	rddreg [dreg:$0x1];
	p0 =	sne.s32 s2, $0x0  }
0x60: {  	s3 =	rddreg [dreg:$0x2];
	[bflag:$0x3] =	sbarrier.arrive $0xFFFF;
	s2 =	simm.s32 @!p0 $0x1C01  }
0x61: {  	[timem:s3], [sflag:s2] =	dma.local @!p0 [hbm:s0], s1  }
0x62: {  	s0 =	simm.s32 @!p0 $0x1  }
0x63: {  	_ =	swait.ge @!p0 [sflag:s0], s1  }
0x64: {  	s1 =	ssub.s32 @!p0 $0x0, s1;
	[sflag:s0] =	ssyncset.done @!p0 $0x0  }
0x65: {  	[sflag:s0] =	ssyncadd.s32 @!p0 s1  }
0x66: {  	[bflag:$0x3] =	sbarrier.arrive $0xFFFF  }
0x67: {  	_ =	shalt  }

</sc_bundles>
